<compile_context>
chip_gen: v7x
topology: tpu7x:2x2x1
jax: 0.10.2.dev20260603
libtpu: 0.0.44.dev20260713+nightly
codegen_flags: <defaults>
</compile_context>

<pallas_src>
import dataclasses
import functools

import jax
import jax.numpy as jnp
from jax import lax
from jax.experimental import pallas as pl
from jax.experimental.pallas import tpu as pltpu
from jax.experimental.pallas import tpu_sc as plsc

_N = 10000
_E = 320000
_D = 128
_R = 100

_NC = 2
_NS = 16
_NW = _NC * _NS

_N_PAD = 10112
_ROWS_PER_SUB = _N_PAD // _NS
_BLK = 128
_NBLK = 157
_EPC = _NBLK * _BLK
_E_PAD = _NS * _EPC
_EPW = _E_PAD // _NW
_XR_ROWS = 2 * _R + 8

_mesh = plsc.VectorSubcoreMesh(core_axis_name="c", subcore_axis_name="s")

_sc_params = pltpu.CompilerParams()
if "needs_layout_passes" in pltpu.CompilerParams.__dataclass_fields__:
    _sc_params = dataclasses.replace(_sc_params, needs_layout_passes=False)


@functools.partial(
    pl.kernel,
    out_type=jax.ShapeDtypeStruct((_NW, 2, _N_PAD), jnp.float32),
    mesh=_mesh,
    compiler_params=_sc_params,
    scratch_types=[
        pltpu.VMEM((_N_PAD,), jnp.float32),
        pltpu.VMEM((_N_PAD,), jnp.float32),
        pltpu.VMEM((_EPW,), jnp.int32),
        pltpu.VMEM((_EPW,), jnp.int32),
    ],
)
def _sc_hist(src_hbm, tgt_hbm, out_hbm, ho, hi, sbuf, tbuf):
    cid = lax.axis_index("c")
    sid = lax.axis_index("s")
    wid = cid * _NS + sid
    zeros = jnp.zeros((16,), jnp.float32)

    @pl.loop(0, _N_PAD, step=16)
    def _(i):
        ho[pl.ds(i, 16)] = zeros
        hi[pl.ds(i, 16)] = zeros

    base = wid * _EPW
    pltpu.sync_copy(src_hbm.at[pl.ds(base, _EPW)], sbuf)
    pltpu.sync_copy(tgt_hbm.at[pl.ds(base, _EPW)], tbuf)
    ones = jnp.ones((16,), jnp.float32)

    @pl.loop(0, _EPW, step=16)
    def _(i):
        plsc.addupdate_scatter(ho, [sbuf[pl.ds(i, 16)]], ones)
        plsc.addupdate_scatter(hi, [tbuf[pl.ds(i, 16)]], ones)

    pltpu.sync_copy(ho, out_hbm.at[wid, 0])
    pltpu.sync_copy(hi, out_hbm.at[wid, 1])


def _tc_prescale_body(hist_ref, xe_ref, xs_ref, xt_ref, uvt_ref):
    deg = jnp.sum(hist_ref[...], axis=0)
    uvt = lax.rsqrt(jnp.maximum(deg, 1.0)).T
    uvt_ref[...] = uvt
    xe = xe_ref[...]
    xs_ref[...] = xe * uvt[:, 0:1]
    xt_ref[...] = xe * uvt[:, 1:2]


_tc_prescale = pl.pallas_call(
    _tc_prescale_body,
    out_shape=(
        jax.ShapeDtypeStruct((_N_PAD, _D), jnp.float32),
        jax.ShapeDtypeStruct((_N_PAD, _D), jnp.float32),
        jax.ShapeDtypeStruct((_N_PAD, 2), jnp.float32),
    ),
)


@functools.partial(
    pl.kernel,
    out_type=(
        jax.ShapeDtypeStruct((_N_PAD, _D), jnp.float32),
        jax.ShapeDtypeStruct((_N_PAD, _D), jnp.float32),
    ),
    mesh=_mesh,
    compiler_params=_sc_params,
    scratch_types=[
        pltpu.VMEM((_BLK,), jnp.int32),
        pltpu.VMEM((_BLK,), jnp.int32),
        pltpu.VMEM((_BLK,), jnp.int32),
        pltpu.VMEM((_BLK,), jnp.int32),
        pltpu.VMEM((_BLK, _D), jnp.float32),
        pltpu.VMEM((_BLK, _D), jnp.float32),
        pltpu.VMEM((128, _D), jnp.float32),
        pltpu.VMEM_SHARED((_N_PAD, _D), jnp.float32),
        pltpu.SemaphoreType.DMA,
        pltpu.SemaphoreType.DMA,
    ],
)
def _sc_agg(xs_hbm, xt_hbm, xr_hbm, src_hbm, tgt_hbm, et_hbm,
            aggf_hbm, aggb_hbm,
            gidx, sidx, etb, xidx, rowb, xrb, zb, acc, sem1, sem2):
    cid = lax.axis_index("c")
    sid = lax.axis_index("s")
    wid = cid * _NS + sid
    zeros = jnp.zeros((16,), jnp.float32)

    @pl.loop(0, 128)
    def _(r):
        @pl.loop(0, _D, step=16)
        def _(c):
            zb[r, pl.ds(c, 16)] = zeros

    row0 = sid * _ROWS_PER_SUB

    @pl.loop(0, 4)
    def _(j):
        pltpu.sync_copy(zb, acc.at[pl.ds(row0 + j * 128, 128)])

    pltpu.sync_copy(zb.at[pl.ds(0, _ROWS_PER_SUB - 512)],
                    acc.at[pl.ds(row0 + 512, _ROWS_PER_SUB - 512)])
    plsc.subcore_barrier()

    def run_dir(tbl_hbm, gsrc_hbm, ssrc_hbm, xr_add, out_hbm):
        woff = wid * _XR_ROWS + xr_add

        @pl.loop(0, _NBLK)
        def _(b):
            ebase = sid * _EPC + b * _BLK
            pltpu.sync_copy(gsrc_hbm.at[pl.ds(ebase, _BLK)], gidx)
            pltpu.sync_copy(ssrc_hbm.at[pl.ds(ebase, _BLK)], sidx)
            pltpu.sync_copy(et_hbm.at[pl.ds(ebase, _BLK)], etb)

            @pl.loop(0, _BLK, step=16)
            def _(i):
                xidx[pl.ds(i, 16)] = etb[pl.ds(i, 16)] * 2 + woff

            cg = pltpu.async_copy(tbl_hbm.at[gidx], rowb, sem1)
            cx = pltpu.async_copy(xr_hbm.at[xidx], xrb, sem2)
            cg.wait()
            cx.wait()

            @pl.loop(0, _BLK)
            def _(r):
                @pl.loop(0, _D, step=16)
                def _(c):
                    rowb[r, pl.ds(c, 16)] = (rowb[r, pl.ds(c, 16)]
                                             * xrb[r, pl.ds(c, 16)])

            pltpu.sync_copy(rowb, acc.at[sidx], add=True)

        plsc.subcore_barrier()

        @pl.loop(0, 4)
        def _(j):
            pltpu.sync_copy(acc.at[pl.ds(row0 + j * 128, 128)],
                            out_hbm.at[pl.ds(row0 + j * 128, 128)])

        pltpu.sync_copy(acc.at[pl.ds(row0 + 512, _ROWS_PER_SUB - 512)],
                        out_hbm.at[pl.ds(row0 + 512, _ROWS_PER_SUB - 512)])

    @pl.when(cid == 0)
    def _():
        run_dir(xs_hbm, src_hbm, tgt_hbm, 0, aggf_hbm)

    @pl.when(cid == 1)
    def _():
        run_dir(xt_hbm, tgt_hbm, src_hbm, 1, aggb_hbm)


def _dot(a, b, dims):
    return lax.dot_general(a, b, (dims, ((), ())),
                           precision=lax.Precision.HIGHEST,
                           preferred_element_type=jnp.float32)


_NB = 2000
_NGRID = _N // _NB


def _tc_mm_body(xe_ref, aggf_ref, aggb_ref, uv_ref, sl_ref, wl_ref,
                wf_ref, wb_ref, bias_ref, hpre_ref, sum_ref):
    i = pl.program_id(0)
    af = aggf_ref[...] * uv_ref[:, 1:2]
    ab = aggb_ref[...] * uv_ref[:, 0:1]
    xe = xe_ref[...]
    h = (_dot(xe * sl_ref[...], wl_ref[...], ((1,), (0,)))
         + _dot(af, wf_ref[...], ((1,), (0,)))
         + _dot(ab, wb_ref[...], ((1,), (0,)))) * (1.0 / 3.0) \
        + bias_ref[...][None, :]
    hpre_ref[...] = h

    @pl.when(i == 0)
    def _():
        sum_ref[...] = jnp.zeros_like(sum_ref)

    sum_ref[0, :] += jnp.sum(h, axis=0)


_tc_mm = pl.pallas_call(
    _tc_mm_body,
    grid=(_NGRID,),
    in_specs=[
        pl.BlockSpec((_NB, _D), lambda i: (i, 0)),
        pl.BlockSpec((_NB, _D), lambda i: (i, 0)),
        pl.BlockSpec((_NB, _D), lambda i: (i, 0)),
        pl.BlockSpec((_NB, 2), lambda i: (i, 0)),
        pl.BlockSpec((1, _D), lambda i: (0, 0)),
        pl.BlockSpec((_D, _D), lambda i: (0, 0)),
        pl.BlockSpec((_D, _D), lambda i: (0, 0)),
        pl.BlockSpec((_D, _D), lambda i: (0, 0)),
        pl.BlockSpec((_D,), lambda i: (0,)),
    ],
    out_specs=(
        pl.BlockSpec((_NB, _D), lambda i: (i, 0)),
        pl.BlockSpec((8, _D), lambda i: (0, 0)),
    ),
    out_shape=(
        jax.ShapeDtypeStruct((_N, _D), jnp.float32),
        jax.ShapeDtypeStruct((8, _D), jnp.float32),
    ),
)


def _tc_norm_body(hpre_ref, sum_ref, gamma_ref, beta_ref, xr_ref, wr_ref,
                  h_ref, xrn_ref):
    mean = sum_ref[0, :] * (1.0 / _N)
    ctr = hpre_ref[...] - mean[None, :]
    var = jnp.mean(ctr * ctr, axis=0)
    h_ref[...] = ctr * (lax.rsqrt(var + 1e-5) * gamma_ref[...])[None, :] \
        + beta_ref[...][None, :]
    xrn_ref[...] = _dot(xr_ref[...], wr_ref[...], ((1,), (1,)))


_tc_norm = pl.pallas_call(
    _tc_norm_body,
    out_shape=(
        jax.ShapeDtypeStruct((_N, _D), jnp.float32),
        jax.ShapeDtypeStruct((2 * _R, _D), jnp.float32),
    ),
)


def kernel(x_e, x_r, edge_index, edge_type, w_loop, w_fwd, w_bwd, self_loop,
           w_rel, bias, gamma, beta):
    pad = _E_PAD - _E
    pad_rows = (_N + (jnp.arange(pad, dtype=jnp.int32) % 8)).astype(jnp.int32)
    src_p = jnp.concatenate([edge_index[0], pad_rows])
    tgt_p = jnp.concatenate([edge_index[1], pad_rows])
    et_p = jnp.concatenate(
        [edge_type.astype(jnp.int32), jnp.full((pad,), _R, jnp.int32)])
    xe_p = jnp.pad(x_e, ((0, _N_PAD - _N), (0, 0)))
    xr_rep = jnp.tile(jnp.pad(x_r, ((0, 8), (0, 0))), (_NW, 1))

    hist = _sc_hist(src_p, tgt_p)
    xs, xt, uv = _tc_prescale(hist, xe_p)
    aggf, aggb = _sc_agg(xs, xt, xr_rep, src_p, tgt_p, et_p)
    hpre, colsum = _tc_mm(x_e, aggf, aggb, uv, self_loop, w_loop, w_fwd,
                          w_bwd, bias)
    h, xrn = _tc_norm(hpre, colsum, gamma, beta, x_r, w_rel)
    return (h, xrn)

# --- scband reference (transcript-rebuilt; emitter-appended) ---
"""Pipeline reference for scband-combined-comp-gcnrepresentations-89163521065629 (READ-ONLY COPY).

The authoritative reference and input builder live on the scoring server;
editing this copy changes nothing except your own understanding.
"""

import jax, jax.numpy as jnp
import numpy as np

N = 10000
E = 320000
D = 128
R = 100


def setup_inputs(seed: int = 0) -> dict:
    key = jax.random.key(seed)
    ks = jax.random.split(key, 12)
    xav = float(np.sqrt(2.0 / (D + D)))  # xavier_uniform-ish std
    x_e = jax.random.normal(ks[0], (N, D), dtype=jnp.float32)
    x_r = jax.random.normal(ks[1], (2 * R, D), dtype=jnp.float32)
    edge_index = jax.random.randint(ks[2], (2, E), 0, N, dtype=jnp.int32)
    edge_type = jax.random.randint(ks[3], (E,), 0, R, dtype=jnp.int32)
    w_loop = jax.random.uniform(ks[4], (D, D), jnp.float32, -xav, xav)
    w_fwd = jax.random.uniform(ks[5], (D, D), jnp.float32, -xav, xav)
    w_bwd = jax.random.uniform(ks[6], (D, D), jnp.float32, -xav, xav)
    self_loop = jax.random.uniform(ks[7], (1, D), jnp.float32, -xav, xav)
    w_rel = jax.random.uniform(ks[8], (D, D), jnp.float32, -xav, xav)
    bias = jnp.zeros((D,), dtype=jnp.float32)
    gamma = jnp.ones((D,), dtype=jnp.float32)
    beta = jnp.zeros((D,), dtype=jnp.float32)
    return {
        "x_e": x_e, "x_r": x_r, "edge_index": edge_index, "edge_type": edge_type,
        "w_loop": w_loop, "w_fwd": w_fwd, "w_bwd": w_bwd, "self_loop": self_loop,
        "w_rel": w_rel, "bias": bias, "gamma": gamma, "beta": beta,
    }


def _message(x_e, x_r, source, target, etype, weight):
    # composition = multiplication: phi(h, r) = h * r
    m = (x_e[source] * x_r[etype]) @ weight
    # SymmetricEdgeWeighting: 1/sqrt(deg_out(source) * deg_in(target))
    n = x_e.shape[0]
    deg_out = jnp.zeros((n,), jnp.float32).at[source].add(1.0)
    deg_in = jnp.zeros((n,), jnp.float32).at[target].add(1.0)
    w = jax.lax.rsqrt(jnp.clip(deg_out[source] * deg_in[target], 1.0, None))
    m = m * w[:, None]
    # scatter-add aggregation onto target nodes
    out = jnp.zeros((n, m.shape[1]), m.dtype).at[target].add(m)
    return out  # dropout p=0.0 -> identity


def reference(x_e, x_r, edge_index, edge_type, w_loop, w_fwd, w_bwd, self_loop, w_rel, bias, gamma, beta):
    et = 2 * edge_type
    source = edge_index[0]
    target = edge_index[1]
    loop = (x_e * self_loop) @ w_loop
    fwd = _message(x_e, x_r, source, target, et, w_fwd)
    # backward direction: edge_index.flip(0), edge_type + 1
    bwd = _message(x_e, x_r, target, source, et + 1, w_bwd)
    h = (loop + fwd + bwd) / 3.0
    h = h + bias  # Bias layer
    # BatchNorm1d (training-mode batch statistics, eps=1e-5)
    mean = jnp.mean(h, axis=0)
    var = jnp.var(h, axis=0)
    h = (h - mean) * jax.lax.rsqrt(var + 1e-5) * gamma + beta
    # activation = Identity
    x_r_new = x_r @ w_rel.T  # w_rel Linear without bias
    return (h, x_r_new)

if __name__ == "__main__":
    import jax
    _d = setup_inputs()
    print(jax.jit(kernel)(*tuple(_d.values())))

</pallas_src>

<mosaic_0001>
#map = affine_map<(d0, d1) -> (0)>
#map1 = affine_map<(d0, d1) -> (0, 0, 0)>
module attributes {stable_mosaic.version = 14 : i64} {
  func.func @_sc_hist(%arg0: i32, %arg1: i32, %arg2: memref<321536xi32, #tpu.memory_space<hbm>>, %arg3: memref<321536xi32, #tpu.memory_space<hbm>>, %arg4: memref<32x2x10112xf32, #tpu.memory_space<hbm>>, %arg5: memref<10112xf32, #tpu.memory_space<vmem>>, %arg6: memref<10112xf32, #tpu.memory_space<vmem>>, %arg7: memref<10048xi32, #tpu.memory_space<vmem>>, %arg8: memref<10048xi32, #tpu.memory_space<vmem>>) attributes {dimension_semantics = [#tpu.dimension_semantics<core_parallel>, #tpu.dimension_semantics<subcore_parallel>], iteration_bounds = array<i64: 2, 16>, scalar_prefetch = 0 : i64, scratch_operands = 4 : i64, tpu.core_type = #tpu.core_type<sc_vector_subcore>, window_params = [{transform_indices = #map}, {transform_indices = #map}, {transform_indices = #map1}]} {
    %mul3A = arith.constant 16 : i32
    %mul3A_0 = arith.muli %arg0, %mul3A : i32
    %add3A = arith.addi %mul3A_0, %arg1 : i32
    %broadcast_in_dim3A = arith.constant 0.000000e+00 : f32
    %broadcast_in_dim3A_1 = vector.broadcast %broadcast_in_dim3A : f32 to vector<16xf32>
    %scan3A = arith.constant 0 : i32
    %scan3A_2 = arith.constant 632 : i32
    %scan3A_3 = arith.addi %scan3A, %scan3A_2 : i32
    %scan3A_4 = arith.constant 1 : i32
    scf.for %scan3A_16 = %scan3A to %scan3A_3 step %scan3A_4  : i32 {
      %mul3A_17 = arith.constant 16 : i32
      %mul3A_18 = arith.muli %scan3A_16, %mul3A_17 : i32
      %add3A_19 = arith.constant 0 : i32
      %add3A_20 = arith.addi %add3A_19, %mul3A_18 : i32
      %swap3A = arith.index_cast %add3A_20 : i32 to index
      %swap3A_21 = tpu.vector_load %arg5[%swap3A] {strides = array<i32>} : memref<10112xf32, #tpu.memory_space<vmem>>, vector<16xf32>,
      tpu.vector_store %arg5[%swap3A], %broadcast_in_dim3A_1 {strides = array<i32>} : memref<10112xf32, #tpu.memory_space<vmem>>, vector<16xf32>,
      %swap3A_22 = arith.index_cast %add3A_20 : i32 to index
      %swap3A_23 = tpu.vector_load %arg6[%swap3A_22] {strides = array<i32>} : memref<10112xf32, #tpu.memory_space<vmem>>, vector<16xf32>,
      tpu.vector_store %arg6[%swap3A_22], %broadcast_in_dim3A_1 {strides = array<i32>} : memref<10112xf32, #tpu.memory_space<vmem>>, vector<16xf32>,
    }
    %scan3A_5 = arith.constant 632 : i32
    %mul3A_6 = arith.constant 10048 : i32
    %mul3A_7 = arith.muli %add3A, %mul3A_6 : i32
    "tpu.region"() ({
      %run_scoped3A_16 = tpu.sem_alloc : memref<!tpu.dma_semaphore, #tpu.memory_space<semaphore_mem>>
      %dma_start3A = tpu.memref_slice %arg2[%mul3A_7] : memref<321536xi32, #tpu.memory_space<hbm>> -> memref<10048xi32, #tpu.memory_space<hbm>>
      %dma_start3A_17 = tpu.memref_slice %arg2[%mul3A_7] : memref<321536xi32, #tpu.memory_space<hbm>> -> memref<10048xi32, #tpu.memory_space<hbm>>
      tpu.enqueue_dma source(%dma_start3A_17 : memref<10048xi32, #tpu.memory_space<hbm>>) target(%arg7 : memref<10048xi32, #tpu.memory_space<vmem>>) target_semaphore(%run_scoped3A_16 : memref<!tpu.dma_semaphore, #tpu.memory_space<semaphore_mem>>)
      %dma_wait3A = tpu.memref_slice %arg2[%mul3A_7] : memref<321536xi32, #tpu.memory_space<hbm>> -> memref<10048xi32, #tpu.memory_space<hbm>>
      %dma_wait3A_18 = tpu.memref_slice %arg2[%mul3A_7] : memref<321536xi32, #tpu.memory_space<hbm>> -> memref<10048xi32, #tpu.memory_space<hbm>>
      tpu.wait_dma2 semaphore(%run_scoped3A_16 : memref<!tpu.dma_semaphore, #tpu.memory_space<semaphore_mem>>) src(%dma_wait3A_18 : memref<10048xi32, #tpu.memory_space<hbm>>) dst(%arg7 : memref<10048xi32, #tpu.memory_space<vmem>>)
      tpu.yield
    }) : () -> ()
    "tpu.region"() ({
      %run_scoped3A_16 = tpu.sem_alloc : memref<!tpu.dma_semaphore, #tpu.memory_space<semaphore_mem>>
      %dma_start3A = tpu.memref_slice %arg3[%mul3A_7] : memref<321536xi32, #tpu.memory_space<hbm>> -> memref<10048xi32, #tpu.memory_space<hbm>>
      %dma_start3A_17 = tpu.memref_slice %arg3[%mul3A_7] : memref<321536xi32, #tpu.memory_space<hbm>> -> memref<10048xi32, #tpu.memory_space<hbm>>
      tpu.enqueue_dma source(%dma_start3A_17 : memref<10048xi32, #tpu.memory_space<hbm>>) target(%arg8 : memref<10048xi32, #tpu.memory_space<vmem>>) target_semaphore(%run_scoped3A_16 : memref<!tpu.dma_semaphore, #tpu.memory_space<semaphore_mem>>)
      %dma_wait3A = tpu.memref_slice %arg3[%mul3A_7] : memref<321536xi32, #tpu.memory_space<hbm>> -> memref<10048xi32, #tpu.memory_space<hbm>>
      %dma_wait3A_18 = tpu.memref_slice %arg3[%mul3A_7] : memref<321536xi32, #tpu.memory_space<hbm>> -> memref<10048xi32, #tpu.memory_space<hbm>>
      tpu.wait_dma2 semaphore(%run_scoped3A_16 : memref<!tpu.dma_semaphore, #tpu.memory_space<semaphore_mem>>) src(%dma_wait3A_18 : memref<10048xi32, #tpu.memory_space<hbm>>) dst(%arg8 : memref<10048xi32, #tpu.memory_space<vmem>>)
      tpu.yield
    }) : () -> ()
    %broadcast_in_dim3A_8 = arith.constant 1.000000e+00 : f32
    %broadcast_in_dim3A_9 = vector.broadcast %broadcast_in_dim3A_8 : f32 to vector<16xf32>
    %scan3A_10 = arith.constant 0 : i32
    %scan3A_11 = arith.constant 628 : i32
    %scan3A_12 = arith.addi %scan3A_10, %scan3A_11 : i32
    %scan3A_13 = arith.constant 1 : i32
    scf.for %scan3A_16 = %scan3A_10 to %scan3A_12 step %scan3A_13  : i32 {
      %mul3A_17 = arith.constant 16 : i32
      %mul3A_18 = arith.muli %scan3A_16, %mul3A_17 : i32
      %add3A_19 = arith.constant 0 : i32
      %add3A_20 = arith.addi %add3A_19, %mul3A_18 : i32
      %get3A = arith.index_cast %add3A_20 : i32 to index
      %get3A_21 = tpu.vector_load %arg7[%get3A] {strides = array<i32>} : memref<10048xi32, #tpu.memory_space<vmem>>, vector<16xi32>,
      tpu.vector_store_idx %arg5[%get3A_21], %broadcast_in_dim3A_9 {add = true} : memref<10112xf32, #tpu.memory_space<vmem>>[vector<16xi32>], vector<16xf32>,
      %get3A_22 = arith.index_cast %add3A_20 : i32 to index
      %get3A_23 = tpu.vector_load %arg8[%get3A_22] {strides = array<i32>} : memref<10048xi32, #tpu.memory_space<vmem>>, vector<16xi32>,
      tpu.vector_store_idx %arg6[%get3A_23], %broadcast_in_dim3A_9 {add = true} : memref<10112xf32, #tpu.memory_space<vmem>>[vector<16xi32>], vector<16xf32>,
    }
    %scan3A_14 = arith.constant 628 : i32
    %run_scoped3A = arith.constant 0 : i32
    "tpu.region"() ({
      %run_scoped3A_16 = tpu.sem_alloc : memref<!tpu.dma_semaphore, #tpu.memory_space<semaphore_mem>>
      %dma_start3A = arith.constant 0 : i32
      %dma_start3A_17 = tpu.memref_slice %arg4[%add3A, %run_scoped3A, %dma_start3A] : memref<32x2x10112xf32, #tpu.memory_space<hbm>> -> memref<1x1x10112xf32, #tpu.memory_space<hbm>>
      %dma_start3A_18 = tpu.memref_squeeze %dma_start3A_17 : memref<1x1x10112xf32, #tpu.memory_space<hbm>> -> memref<10112xf32, #tpu.memory_space<hbm>>
      %dma_start3A_19 = arith.constant 0 : i32
      %dma_start3A_20 = tpu.memref_slice %arg4[%add3A, %run_scoped3A, %dma_start3A_19] : memref<32x2x10112xf32, #tpu.memory_space<hbm>> -> memref<1x1x10112xf32, #tpu.memory_space<hbm>>
      %dma_start3A_21 = tpu.memref_squeeze %dma_start3A_20 : memref<1x1x10112xf32, #tpu.memory_space<hbm>> -> memref<10112xf32, #tpu.memory_space<hbm>>
      tpu.enqueue_dma source(%arg5 : memref<10112xf32, #tpu.memory_space<vmem>>) target(%dma_start3A_21 : memref<10112xf32, #tpu.memory_space<hbm>>) target_semaphore(%run_scoped3A_16 : memref<!tpu.dma_semaphore, #tpu.memory_space<semaphore_mem>>)
      %dma_wait3A = arith.constant 0 : i32
      %dma_wait3A_22 = tpu.memref_slice %arg4[%add3A, %run_scoped3A, %dma_wait3A] : memref<32x2x10112xf32, #tpu.memory_space<hbm>> -> memref<1x1x10112xf32, #tpu.memory_space<hbm>>
      %dma_wait3A_23 = tpu.memref_squeeze %dma_wait3A_22 : memref<1x1x10112xf32, #tpu.memory_space<hbm>> -> memref<10112xf32, #tpu.memory_space<hbm>>
      %dma_wait3A_24 = arith.constant 0 : i32
      %dma_wait3A_25 = tpu.memref_slice %arg4[%add3A, %run_scoped3A, %dma_wait3A_24] : memref<32x2x10112xf32, #tpu.memory_space<hbm>> -> memref<1x1x10112xf32, #tpu.memory_space<hbm>>
      %dma_wait3A_26 = tpu.memref_squeeze %dma_wait3A_25 : memref<1x1x10112xf32, #tpu.memory_space<hbm>> -> memref<10112xf32, #tpu.memory_space<hbm>>
      tpu.wait_dma2 semaphore(%run_scoped3A_16 : memref<!tpu.dma_semaphore, #tpu.memory_space<semaphore_mem>>) src(%arg5 : memref<10112xf32, #tpu.memory_space<vmem>>) dst(%dma_wait3A_26 : memref<10112xf32, #tpu.memory_space<hbm>>)
      tpu.yield
    }) : () -> ()
    %run_scoped3A_15 = arith.constant 1 : i32
    "tpu.region"() ({
      %run_scoped3A_16 = tpu.sem_alloc : memref<!tpu.dma_semaphore, #tpu.memory_space<semaphore_mem>>
      %dma_start3A = arith.constant 0 : i32
      %dma_start3A_17 = tpu.memref_slice %arg4[%add3A, %run_scoped3A_15, %dma_start3A] : memref<32x2x10112xf32, #tpu.memory_space<hbm>> -> memref<1x1x10112xf32, #tpu.memory_space<hbm>>
      %dma_start3A_18 = tpu.memref_squeeze %dma_start3A_17 : memref<1x1x10112xf32, #tpu.memory_space<hbm>> -> memref<10112xf32, #tpu.memory_space<hbm>>
      %dma_start3A_19 = arith.constant 0 : i32
      %dma_start3A_20 = tpu.memref_slice %arg4[%add3A, %run_scoped3A_15, %dma_start3A_19] : memref<32x2x10112xf32, #tpu.memory_space<hbm>> -> memref<1x1x10112xf32, #tpu.memory_space<hbm>>
      %dma_start3A_21 = tpu.memref_squeeze %dma_start3A_20 : memref<1x1x10112xf32, #tpu.memory_space<hbm>> -> memref<10112xf32, #tpu.memory_space<hbm>>
      tpu.enqueue_dma source(%arg6 : memref<10112xf32, #tpu.memory_space<vmem>>) target(%dma_start3A_21 : memref<10112xf32, #tpu.memory_space<hbm>>) target_semaphore(%run_scoped3A_16 : memref<!tpu.dma_semaphore, #tpu.memory_space<semaphore_mem>>)
      %dma_wait3A = arith.constant 0 : i32
      %dma_wait3A_22 = tpu.memref_slice %arg4[%add3A, %run_scoped3A_15, %dma_wait3A] : memref<32x2x10112xf32, #tpu.memory_space<hbm>> -> memref<1x1x10112xf32, #tpu.memory_space<hbm>>
      %dma_wait3A_23 = tpu.memref_squeeze %dma_wait3A_22 : memref<1x1x10112xf32, #tpu.memory_space<hbm>> -> memref<10112xf32, #tpu.memory_space<hbm>>
      %dma_wait3A_24 = arith.constant 0 : i32
      %dma_wait3A_25 = tpu.memref_slice %arg4[%add3A, %run_scoped3A_15, %dma_wait3A_24] : memref<32x2x10112xf32, #tpu.memory_space<hbm>> -> memref<1x1x10112xf32, #tpu.memory_space<hbm>>
      %dma_wait3A_26 = tpu.memref_squeeze %dma_wait3A_25 : memref<1x1x10112xf32, #tpu.memory_space<hbm>> -> memref<10112xf32, #tpu.memory_space<hbm>>
      tpu.wait_dma2 semaphore(%run_scoped3A_16 : memref<!tpu.dma_semaphore, #tpu.memory_space<semaphore_mem>>) src(%arg6 : memref<10112xf32, #tpu.memory_space<vmem>>) dst(%dma_wait3A_26 : memref<10112xf32, #tpu.memory_space<hbm>>)
      tpu.yield
    }) : () -> ()
    return
  }
}

#map = affine_map<(d0, d1) -> (0, 0)>
#map1 = affine_map<(d0, d1) -> (0)>
module attributes {stable_mosaic.version = 14 : i64} {
  func.func @_sc_agg(%arg0: i32, %arg1: i32, %arg2: memref<10112x128xf32, #tpu.memory_space<hbm>>, %arg3: memref<10112x128xf32, #tpu.memory_space<hbm>>, %arg4: memref<6656x128xf32, #tpu.memory_space<hbm>>, %arg5: memref<321536xi32, #tpu.memory_space<hbm>>, %arg6: memref<321536xi32, #tpu.memory_space<hbm>>, %arg7: memref<321536xi32, #tpu.memory_space<hbm>>, %arg8: memref<10112x128xf32, #tpu.memory_space<hbm>>, %arg9: memref<10112x128xf32, #tpu.memory_space<hbm>>, %arg10: memref<128xi32, #tpu.memory_space<vmem>>, %arg11: memref<128xi32, #tpu.memory_space<vmem>>, %arg12: memref<128xi32, #tpu.memory_space<vmem>>, %arg13: memref<128xi32, #tpu.memory_space<vmem>>, %arg14: memref<128x128xf32, #tpu.memory_space<vmem>>, %arg15: memref<128x128xf32, #tpu.memory_space<vmem>>, %arg16: memref<128x128xf32, #tpu.memory_space<vmem>>, %arg17: memref<10112x128xf32, #tpu.memory_space<vmem_shared>>, %arg18: memref<!tpu.dma_semaphore, #tpu.memory_space<semaphore_mem>>, %arg19: memref<!tpu.dma_semaphore, #tpu.memory_space<semaphore_mem>>) attributes {dimension_semantics = [#tpu.dimension_semantics<core_parallel>, #tpu.dimension_semantics<subcore_parallel>], iteration_bounds = array<i64: 2, 16>, scalar_prefetch = 0 : i64, scratch_operands = 10 : i64, tpu.core_type = #tpu.core_type<sc_vector_subcore>, window_params = [{transform_indices = #map}, {transform_indices = #map}, {transform_indices = #map}, {transform_indices = #map1}, {transform_indices = #map1}, {transform_indices = #map1}, {transform_indices = #map}, {transform_indices = #map}]} {
    %mul3A = arith.constant 16 : i32
    %mul3A_0 = arith.muli %arg0, %mul3A : i32
    %add3A = arith.addi %mul3A_0, %arg1 : i32
    %broadcast_in_dim3A = arith.constant 0.000000e+00 : f32
    %broadcast_in_dim3A_1 = vector.broadcast %broadcast_in_dim3A : f32 to vector<16xf32>
    %scan3A = arith.constant 0 : i32
    %scan3A_2 = arith.constant 128 : i32
    %scan3A_3 = arith.addi %scan3A, %scan3A_2 : i32
    %scan3A_4 = arith.constant 1 : i32
    scf.for %scan3A_22 = %scan3A to %scan3A_3 step %scan3A_4  : i32 {
      %mul3A_23 = arith.constant 1 : i32
      %mul3A_24 = arith.muli %scan3A_22, %mul3A_23 : i32
      %add3A_25 = arith.constant 0 : i32
      %add3A_26 = arith.addi %add3A_25, %mul3A_24 : i32
      %scan3A_27 = arith.constant 0 : i32
      %scan3A_28 = arith.constant 8 : i32
      %scan3A_29 = arith.addi %scan3A_27, %scan3A_28 : i32
      %scan3A_30 = arith.constant 1 : i32
      scf.for %scan3A_32 = %scan3A_27 to %scan3A_29 step %scan3A_30  : i32 {
        %mul3A_33 = arith.constant 16 : i32
        %mul3A_34 = arith.muli %scan3A_32, %mul3A_33 : i32
        %add3A_35 = arith.constant 0 : i32
        %add3A_36 = arith.addi %add3A_35, %mul3A_34 : i32
        %swap3A = arith.index_cast %add3A_26 : i32 to index
        %swap3A_37 = arith.index_cast %add3A_36 : i32 to index
        %swap3A_38 = tpu.vector_load %arg16[%swap3A, %swap3A_37] {strides = array<i32>} : memref<128x128xf32, #tpu.memory_space<vmem>>, vector<16xf32>,
        tpu.vector_store %arg16[%swap3A, %swap3A_37], %broadcast_in_dim3A_1 {strides = array<i32>} : memref<128x128xf32, #tpu.memory_space<vmem>>, vector<16xf32>,
      }
      %scan3A_31 = arith.constant 8 : i32
    }
    %scan3A_5 = arith.constant 128 : i32
    %mul3A_6 = arith.constant 632 : i32
    %mul3A_7 = arith.muli %arg1, %mul3A_6 : i32
    %scan3A_8 = arith.constant 0 : i32
    %scan3A_9 = arith.constant 4 : i32
    %scan3A_10 = arith.addi %scan3A_8, %scan3A_9 : i32
    %scan3A_11 = arith.constant 1 : i32
    scf.for %scan3A_22 = %scan3A_8 to %scan3A_10 step %scan3A_11  : i32 {
      %mul3A_23 = arith.constant 1 : i32
      %mul3A_24 = arith.muli %scan3A_22, %mul3A_23 : i32
      %add3A_25 = arith.constant 0 : i32
      %add3A_26 = arith.addi %add3A_25, %mul3A_24 : i32
      %mul3A_27 = arith.constant 128 : i32
      %mul3A_28 = arith.muli %add3A_26, %mul3A_27 : i32
      %add3A_29 = arith.addi %mul3A_7, %mul3A_28 : i32
      "tpu.region"() ({
        %run_scoped3A = tpu.sem_alloc : memref<!tpu.dma_semaphore, #tpu.memory_space<semaphore_mem>>
        %dma_start3A = arith.constant 0 : i32
        %dma_start3A_30 = tpu.memref_slice %arg17[%add3A_29, %dma_start3A] : memref<10112x128xf32, #tpu.memory_space<vmem_shared>> -> memref<128x128xf32, #tpu.memory_space<vmem_shared>>
        %dma_start3A_31 = arith.constant 0 : i32
        %dma_start3A_32 = tpu.memref_slice %arg17[%add3A_29, %dma_start3A_31] : memref<10112x128xf32, #tpu.memory_space<vmem_shared>> -> memref<128x128xf32, #tpu.memory_space<vmem_shared>>
        tpu.enqueue_dma source(%arg16 : memref<128x128xf32, #tpu.memory_space<vmem>>) target(%dma_start3A_32 : memref<128x128xf32, #tpu.memory_space<vmem_shared>>) target_semaphore(%run_scoped3A : memref<!tpu.dma_semaphore, #tpu.memory_space<semaphore_mem>>)
        %dma_wait3A = arith.constant 0 : i32
        %dma_wait3A_33 = tpu.memref_slice %arg17[%add3A_29, %dma_wait3A] : memref<10112x128xf32, #tpu.memory_space<vmem_shared>> -> memref<128x128xf32, #tpu.memory_space<vmem_shared>>
        %dma_wait3A_34 = arith.constant 0 : i32
        %dma_wait3A_35 = tpu.memref_slice %arg17[%add3A_29, %dma_wait3A_34] : memref<10112x128xf32, #tpu.memory_space<vmem_shared>> -> memref<128x128xf32, #tpu.memory_space<vmem_shared>>
        tpu.wait_dma2 semaphore(%run_scoped3A : memref<!tpu.dma_semaphore, #tpu.memory_space<semaphore_mem>>) src(%arg16 : memref<128x128xf32, #tpu.memory_space<vmem>>) dst(%dma_wait3A_35 : memref<128x128xf32, #tpu.memory_space<vmem_shared>>)
        tpu.yield
      }) : () -> ()
    }
    %scan3A_12 = arith.constant 4 : i32
    %add3A_13 = arith.constant 512 : i32
    %add3A_14 = arith.addi %mul3A_7, %add3A_13 : i32
    "tpu.region"() ({
      %run_scoped3A = tpu.sem_alloc : memref<!tpu.dma_semaphore, #tpu.memory_space<semaphore_mem>>
      %dma_start3A = arith.constant 0 : i32
      %dma_start3A_22 = arith.constant 0 : i32
      %dma_start3A_23 = tpu.memref_slice %arg16[%dma_start3A, %dma_start3A_22] : memref<128x128xf32, #tpu.memory_space<vmem>> -> memref<120x128xf32, #tpu.memory_space<vmem>>
      %dma_start3A_24 = arith.constant 0 : i32
      %dma_start3A_25 = tpu.memref_slice %arg17[%add3A_14, %dma_start3A_24] : memref<10112x128xf32, #tpu.memory_space<vmem_shared>> -> memref<120x128xf32, #tpu.memory_space<vmem_shared>>
      %dma_start3A_26 = arith.constant 0 : i32
      %dma_start3A_27 = tpu.memref_slice %arg17[%add3A_14, %dma_start3A_26] : memref<10112x128xf32, #tpu.memory_space<vmem_shared>> -> memref<120x128xf32, #tpu.memory_space<vmem_shared>>
      %dma_start3A_28 = arith.constant 0 : i32
      %dma_start3A_29 = arith.constant 0 : i32
      %dma_start3A_30 = tpu.memref_slice %arg16[%dma_start3A_28, %dma_start3A_29] : memref<128x128xf32, #tpu.memory_space<vmem>> -> memref<120x128xf32, #tpu.memory_space<vmem>>
      tpu.enqueue_dma source(%dma_start3A_30 : memref<120x128xf32, #tpu.memory_space<vmem>>) target(%dma_start3A_27 : memref<120x128xf32, #tpu.memory_space<vmem_shared>>) target_semaphore(%run_scoped3A : memref<!tpu.dma_semaphore, #tpu.memory_space<semaphore_mem>>)
      %dma_wait3A = arith.constant 0 : i32
      %dma_wait3A_31 = arith.constant 0 : i32
      %dma_wait3A_32 = tpu.memref_slice %arg16[%dma_wait3A, %dma_wait3A_31] : memref<128x128xf32, #tpu.memory_space<vmem>> -> memref<120x128xf32, #tpu.memory_space<vmem>>
      %dma_wait3A_33 = arith.constant 0 : i32
      %dma_wait3A_34 = tpu.memref_slice %arg17[%add3A_14, %dma_wait3A_33] : memref<10112x128xf32, #tpu.memory_space<vmem_shared>> -> memref<120x128xf32, #tpu.memory_space<vmem_shared>>
      %dma_wait3A_35 = arith.constant 0 : i32
      %dma_wait3A_36 = tpu.memref_slice %arg17[%add3A_14, %dma_wait3A_35] : memref<10112x128xf32, #tpu.memory_space<vmem_shared>> -> memref<120x128xf32, #tpu.memory_space<vmem_shared>>
      %dma_wait3A_37 = arith.constant 0 : i32
      %dma_wait3A_38 = arith.constant 0 : i32
      %dma_wait3A_39 = tpu.memref_slice %arg16[%dma_wait3A_37, %dma_wait3A_38] : memref<128x128xf32, #tpu.memory_space<vmem>> -> memref<120x128xf32, #tpu.memory_space<vmem>>
      tpu.wait_dma2 semaphore(%run_scoped3A : memref<!tpu.dma_semaphore, #tpu.memory_space<semaphore_mem>>) src(%dma_wait3A_39 : memref<120x128xf32, #tpu.memory_space<vmem>>) dst(%dma_wait3A_36 : memref<120x128xf32, #tpu.memory_space<vmem_shared>>)
      tpu.yield
    }) : () -> ()
    %barrier3A = arith.constant 0 : index
    tpu.barrier barrier_id(%barrier3A)
    %eq3A = arith.constant 0 : i32
    %eq3A_15 = arith.cmpi eq, %arg0, %eq3A : i32
    %convert_element_type3A = arith.extui %eq3A_15 : i1 to i32
    %cond3A = arith.constant 0 : i32
    %cond3A_16 = arith.cmpi ne, %convert_element_type3A, %cond3A : i32
    scf.if %cond3A_16 {
      %mul3A_22 = arith.constant 208 : i32
      %mul3A_23 = arith.muli %add3A, %mul3A_22 : i32
      %add3A_24 = arith.constant 0 : i32
      %add3A_25 = arith.addi %mul3A_23, %add3A_24 : i32
      %scan3A_26 = arith.constant 0 : i32
      %scan3A_27 = arith.constant 157 : i32
      %scan3A_28 = arith.addi %scan3A_26, %scan3A_27 : i32
      %scan3A_29 = arith.constant 1 : i32
      scf.for %scan3A_41 = %scan3A_26 to %scan3A_28 step %scan3A_29  : i32 {
        %mul3A_42 = arith.constant 1 : i32
        %mul3A_43 = arith.muli %scan3A_41, %mul3A_42 : i32
        %add3A_44 = arith.constant 0 : i32
        %add3A_45 = arith.addi %add3A_44, %mul3A_43 : i32
        %mul3A_46 = arith.constant 20096 : i32
        %mul3A_47 = arith.muli %arg1, %mul3A_46 : i32
        %mul3A_48 = arith.constant 128 : i32
        %mul3A_49 = arith.muli %add3A_45, %mul3A_48 : i32
        %add3A_50 = arith.addi %mul3A_47, %mul3A_49 : i32
        "tpu.region"() ({
          %run_scoped3A = tpu.sem_alloc : memref<!tpu.dma_semaphore, #tpu.memory_space<semaphore_mem>>
          %dma_start3A_71 = tpu.memref_slice %arg5[%add3A_50] : memref<321536xi32, #tpu.memory_space<hbm>> -> memref<128xi32, #tpu.memory_space<hbm>>
          %dma_start3A_72 = tpu.memref_slice %arg5[%add3A_50] : memref<321536xi32, #tpu.memory_space<hbm>> -> memref<128xi32, #tpu.memory_space<hbm>>
          tpu.enqueue_dma source(%dma_start3A_72 : memref<128xi32, #tpu.memory_space<hbm>>) target(%arg10 : memref<128xi32, #tpu.memory_space<vmem>>) target_semaphore(%run_scoped3A : memref<!tpu.dma_semaphore, #tpu.memory_space<semaphore_mem>>)
          %dma_wait3A_73 = tpu.memref_slice %arg5[%add3A_50] : memref<321536xi32, #tpu.memory_space<hbm>> -> memref<128xi32, #tpu.memory_space<hbm>>
          %dma_wait3A_74 = tpu.memref_slice %arg5[%add3A_50] : memref<321536xi32, #tpu.memory_space<hbm>> -> memref<128xi32, #tpu.memory_space<hbm>>
          tpu.wait_dma2 semaphore(%run_scoped3A : memref<!tpu.dma_semaphore, #tpu.memory_space<semaphore_mem>>) src(%dma_wait3A_74 : memref<128xi32, #tpu.memory_space<hbm>>) dst(%arg10 : memref<128xi32, #tpu.memory_space<vmem>>)
          tpu.yield
        }) : () -> ()
        "tpu.region"() ({
          %run_scoped3A = tpu.sem_alloc : memref<!tpu.dma_semaphore, #tpu.memory_space<semaphore_mem>>
          %dma_start3A_71 = tpu.memref_slice %arg6[%add3A_50] : memref<321536xi32, #tpu.memory_space<hbm>> -> memref<128xi32, #tpu.memory_space<hbm>>
          %dma_start3A_72 = tpu.memref_slice %arg6[%add3A_50] : memref<321536xi32, #tpu.memory_space<hbm>> -> memref<128xi32, #tpu.memory_space<hbm>>
          tpu.enqueue_dma source(%dma_start3A_72 : memref<128xi32, #tpu.memory_space<hbm>>) target(%arg11 : memref<128xi32, #tpu.memory_space<vmem>>) target_semaphore(%run_scoped3A : memref<!tpu.dma_semaphore, #tpu.memory_space<semaphore_mem>>)
          %dma_wait3A_73 = tpu.memref_slice %arg6[%add3A_50] : memref<321536xi32, #tpu.memory_space<hbm>> -> memref<128xi32, #tpu.memory_space<hbm>>
          %dma_wait3A_74 = tpu.memref_slice %arg6[%add3A_50] : memref<321536xi32, #tpu.memory_space<hbm>> -> memref<128xi32, #tpu.memory_space<hbm>>
          tpu.wait_dma2 semaphore(%run_scoped3A : memref<!tpu.dma_semaphore, #tpu.memory_space<semaphore_mem>>) src(%dma_wait3A_74 : memref<128xi32, #tpu.memory_space<hbm>>) dst(%arg11 : memref<128xi32, #tpu.memory_space<vmem>>)
          tpu.yield
        }) : () -> ()
        "tpu.region"() ({
          %run_scoped3A = tpu.sem_alloc : memref<!tpu.dma_semaphore, #tpu.memory_space<semaphore_mem>>
          %dma_start3A_71 = tpu.memref_slice %arg7[%add3A_50] : memref<321536xi32, #tpu.memory_space<hbm>> -> memref<128xi32, #tpu.memory_space<hbm>>
          %dma_start3A_72 = tpu.memref_slice %arg7[%add3A_50] : memref<321536xi32, #tpu.memory_space<hbm>> -> memref<128xi32, #tpu.memory_space<hbm>>
          tpu.enqueue_dma source(%dma_start3A_72 : memref<128xi32, #tpu.memory_space<hbm>>) target(%arg12 : memref<128xi32, #tpu.memory_space<vmem>>) target_semaphore(%run_scoped3A : memref<!tpu.dma_semaphore, #tpu.memory_space<semaphore_mem>>)
          %dma_wait3A_73 = tpu.memref_slice %arg7[%add3A_50] : memref<321536xi32, #tpu.memory_space<hbm>> -> memref<128xi32, #tpu.memory_space<hbm>>
          %dma_wait3A_74 = tpu.memref_slice %arg7[%add3A_50] : memref<321536xi32, #tpu.memory_space<hbm>> -> memref<128xi32, #tpu.memory_space<hbm>>
          tpu.wait_dma2 semaphore(%run_scoped3A : memref<!tpu.dma_semaphore, #tpu.memory_space<semaphore_mem>>) src(%dma_wait3A_74 : memref<128xi32, #tpu.memory_space<hbm>>) dst(%arg12 : memref<128xi32, #tpu.memory_space<vmem>>)
          tpu.yield
        }) : () -> ()
        %scan3A_51 = arith.constant 0 : i32
        %scan3A_52 = arith.constant 8 : i32
        %scan3A_53 = arith.addi %scan3A_51, %scan3A_52 : i32
        %scan3A_54 = arith.constant 1 : i32
        scf.for %scan3A_71 = %scan3A_51 to %scan3A_53 step %scan3A_54  : i32 {
          %mul3A_72 = arith.constant 16 : i32
          %mul3A_73 = arith.muli %scan3A_71, %mul3A_72 : i32
          %add3A_74 = arith.constant 0 : i32
          %add3A_75 = arith.addi %add3A_74, %mul3A_73 : i32
          %get3A = arith.index_cast %add3A_75 : i32 to index
          %get3A_76 = tpu.vector_load %arg12[%get3A] {strides = array<i32>} : memref<128xi32, #tpu.memory_space<vmem>>, vector<16xi32>,
          %mul3A_77 = arith.constant 2 : i32
          %mul3A_78 = vector.broadcast %mul3A_77 : i32 to vector<16xi32>
          %mul3A_79 = arith.muli %get3A_76, %mul3A_78 : vector<16xi32>
          %add3A_80 = vector.broadcast %add3A_25 : i32 to vector<16xi32>
          %add3A_81 = arith.addi %mul3A_79, %add3A_80 : vector<16xi32>
          %swap3A = arith.index_cast %add3A_75 : i32 to index
          %swap3A_82 = tpu.vector_load %arg13[%swap3A] {strides = array<i32>} : memref<128xi32, #tpu.memory_space<vmem>>, vector<16xi32>,
          tpu.vector_store %arg13[%swap3A], %add3A_81 {strides = array<i32>} : memref<128xi32, #tpu.memory_space<vmem>>, vector<16xi32>,
        }
        %scan3A_55 = arith.constant 8 : i32
        %dma_start3A = arith.constant 0 : i32
        %dma_start3A_56 = arith.constant 0 : i32
        %dma_start3A_57 = tpu.memref_slice %arg2[%dma_start3A, %dma_start3A_56] : memref<10112x128xf32, #tpu.memory_space<hbm>> -> memref<10112x128xf32, #tpu.memory_space<hbm>>
        tpu.enqueue_indirect_dma source(%dma_start3A_57 : memref<10112x128xf32, #tpu.memory_space<hbm>>) target(%arg14 : memref<128x128xf32, #tpu.memory_space<vmem>>) offsets(%arg10 : memref<128xi32, #tpu.memory_space<vmem>>) semaphore(%arg18 : memref<!tpu.dma_semaphore, #tpu.memory_space<semaphore_mem>>)
        %dma_start3A_58 = arith.constant 0 : i32
        %dma_start3A_59 = arith.constant 0 : i32
        %dma_start3A_60 = tpu.memref_slice %arg4[%dma_start3A_58, %dma_start3A_59] : memref<6656x128xf32, #tpu.memory_space<hbm>> -> memref<6656x128xf32, #tpu.memory_space<hbm>>
        tpu.enqueue_indirect_dma source(%dma_start3A_60 : memref<6656x128xf32, #tpu.memory_space<hbm>>) target(%arg15 : memref<128x128xf32, #tpu.memory_space<vmem>>) offsets(%arg13 : memref<128xi32, #tpu.memory_space<vmem>>) semaphore(%arg19 : memref<!tpu.dma_semaphore, #tpu.memory_space<semaphore_mem>>)
        %dma_wait3A = arith.constant 0 : i32
        %dma_wait3A_61 = arith.constant 0 : i32
        %dma_wait3A_62 = tpu.memref_slice %arg2[%dma_wait3A, %dma_wait3A_61] : memref<10112x128xf32, #tpu.memory_space<hbm>> -> memref<10112x128xf32, #tpu.memory_space<hbm>>
        tpu.wait_indirect_dma semaphore(%arg18 : memref<!tpu.dma_semaphore, #tpu.memory_space<semaphore_mem>>) src(%dma_wait3A_62 : memref<10112x128xf32, #tpu.memory_space<hbm>>) dst(%arg14 : memref<128x128xf32, #tpu.memory_space<vmem>>)
        %dma_wait3A_63 = arith.constant 0 : i32
        %dma_wait3A_64 = arith.constant 0 : i32
        %dma_wait3A_65 = tpu.memref_slice %arg4[%dma_wait3A_63, %dma_wait3A_64] : memref<6656x128xf32, #tpu.memory_space<hbm>> -> memref<6656x128xf32, #tpu.memory_space<hbm>>
        tpu.wait_indirect_dma semaphore(%arg19 : memref<!tpu.dma_semaphore, #tpu.memory_space<semaphore_mem>>) src(%dma_wait3A_65 : memref<6656x128xf32, #tpu.memory_space<hbm>>) dst(%arg15 : memref<128x128xf32, #tpu.memory_space<vmem>>)
        %scan3A_66 = arith.constant 0 : i32
        %scan3A_67 = arith.constant 128 : i32
        %scan3A_68 = arith.addi %scan3A_66, %scan3A_67 : i32
        %scan3A_69 = arith.constant 1 : i32
        scf.for %scan3A_71 = %scan3A_66 to %scan3A_68 step %scan3A_69  : i32 {
          %mul3A_72 = arith.constant 1 : i32
          %mul3A_73 = arith.muli %scan3A_71, %mul3A_72 : i32
          %add3A_74 = arith.constant 0 : i32
          %add3A_75 = arith.addi %add3A_74, %mul3A_73 : i32
          %scan3A_76 = arith.constant 0 : i32
          %scan3A_77 = arith.constant 8 : i32
          %scan3A_78 = arith.addi %scan3A_76, %scan3A_77 : i32
          %scan3A_79 = arith.constant 1 : i32
          scf.for %scan3A_81 = %scan3A_76 to %scan3A_78 step %scan3A_79  : i32 {
            %mul3A_82 = arith.constant 16 : i32
            %mul3A_83 = arith.muli %scan3A_81, %mul3A_82 : i32
            %add3A_84 = arith.constant 0 : i32
            %add3A_85 = arith.addi %add3A_84, %mul3A_83 : i32
            %get3A = arith.index_cast %add3A_75 : i32 to index
            %get3A_86 = arith.index_cast %add3A_85 : i32 to index
            %get3A_87 = tpu.vector_load %arg14[%get3A, %get3A_86] {strides = array<i32>} : memref<128x128xf32, #tpu.memory_space<vmem>>, vector<16xf32>,
            %get3A_88 = arith.index_cast %add3A_75 : i32 to index
            %get3A_89 = arith.index_cast %add3A_85 : i32 to index
            %get3A_90 = tpu.vector_load %arg15[%get3A_88, %get3A_89] {strides = array<i32>} : memref<128x128xf32, #tpu.memory_space<vmem>>, vector<16xf32>,
            %mul3A_91 = arith.mulf %get3A_87, %get3A_90 : vector<16xf32>
            %swap3A = arith.index_cast %add3A_75 : i32 to index
            %swap3A_92 = arith.index_cast %add3A_85 : i32 to index
            %swap3A_93 = tpu.vector_load %arg14[%swap3A, %swap3A_92] {strides = array<i32>} : memref<128x128xf32, #tpu.memory_space<vmem>>, vector<16xf32>,
            tpu.vector_store %arg14[%swap3A, %swap3A_92], %mul3A_91 {strides = array<i32>} : memref<128x128xf32, #tpu.memory_space<vmem>>, vector<16xf32>,
          }
          %scan3A_80 = arith.constant 8 : i32
        }
        %scan3A_70 = arith.constant 128 : i32
        "tpu.region"() ({
          %run_scoped3A = tpu.sem_alloc : memref<!tpu.dma_semaphore, #tpu.memory_space<semaphore_mem>>
          %dma_start3A_71 = arith.constant 0 : i32
          %dma_start3A_72 = arith.constant 0 : i32
          %dma_start3A_73 = tpu.memref_slice %arg17[%dma_start3A_71, %dma_start3A_72] : memref<10112x128xf32, #tpu.memory_space<vmem_shared>> -> memref<10112x128xf32, #tpu.memory_space<vmem_shared>>
          tpu.enqueue_indirect_dma source(%arg14 : memref<128x128xf32, #tpu.memory_space<vmem>>) target(%dma_start3A_73 : memref<10112x128xf32, #tpu.memory_space<vmem_shared>>) offsets(%arg11 : memref<128xi32, #tpu.memory_space<vmem>>) semaphore(%run_scoped3A : memref<!tpu.dma_semaphore, #tpu.memory_space<semaphore_mem>>) {add = true}
          %dma_wait3A_74 = arith.constant 0 : i32
          %dma_wait3A_75 = arith.constant 0 : i32
          %dma_wait3A_76 = tpu.memref_slice %arg17[%dma_wait3A_74, %dma_wait3A_75] : memref<10112x128xf32, #tpu.memory_space<vmem_shared>> -> memref<10112x128xf32, #tpu.memory_space<vmem_shared>>
          tpu.wait_indirect_dma semaphore(%run_scoped3A : memref<!tpu.dma_semaphore, #tpu.memory_space<semaphore_mem>>) src(%arg14 : memref<128x128xf32, #tpu.memory_space<vmem>>) dst(%dma_wait3A_76 : memref<10112x128xf32, #tpu.memory_space<vmem_shared>>)
          tpu.yield
        }) : () -> ()
      }
      %scan3A_30 = arith.constant 157 : i32
      %barrier3A_31 = arith.constant 0 : index
      tpu.barrier barrier_id(%barrier3A_31)
      %scan3A_32 = arith.constant 0 : i32
      %scan3A_33 = arith.constant 4 : i32
      %scan3A_34 = arith.addi %scan3A_32, %scan3A_33 : i32
      %scan3A_35 = arith.constant 1 : i32
      scf.for %scan3A_41 = %scan3A_32 to %scan3A_34 step %scan3A_35  : i32 {
        %mul3A_42 = arith.constant 1 : i32
        %mul3A_43 = arith.muli %scan3A_41, %mul3A_42 : i32
        %add3A_44 = arith.constant 0 : i32
        %add3A_45 = arith.addi %add3A_44, %mul3A_43 : i32
        %mul3A_46 = arith.constant 128 : i32
        %mul3A_47 = arith.muli %add3A_45, %mul3A_46 : i32
        %add3A_48 = arith.addi %mul3A_7, %mul3A_47 : i32
        %mul3A_49 = arith.constant 128 : i32
        %mul3A_50 = arith.muli %add3A_45, %mul3A_49 : i32
        %add3A_51 = arith.addi %mul3A_7, %mul3A_50 : i32
        "tpu.region"() ({
          %run_scoped3A = tpu.sem_alloc : memref<!tpu.dma_semaphore, #tpu.memory_space<semaphore_mem>>
          %dma_start3A = arith.constant 0 : i32
          %dma_start3A_52 = tpu.memref_slice %arg8[%add3A_51, %dma_start3A] : memref<10112x128xf32, #tpu.memory_space<hbm>> -> memref<128x128xf32, #tpu.memory_space<hbm>>
          %dma_start3A_53 = arith.constant 0 : i32
          %dma_start3A_54 = tpu.memref_slice %arg17[%add3A_48, %dma_start3A_53] : memref<10112x128xf32, #tpu.memory_space<vmem_shared>> -> memref<128x128xf32, #tpu.memory_space<vmem_shared>>
          tpu.enqueue_dma source(%dma_start3A_54 : memref<128x128xf32, #tpu.memory_space<vmem_shared>>) target(%dma_start3A_52 : memref<128x128xf32, #tpu.memory_space<hbm>>) target_semaphore(%run_scoped3A : memref<!tpu.dma_semaphore, #tpu.memory_space<semaphore_mem>>)
          %dma_wait3A = arith.constant 0 : i32
          %dma_wait3A_55 = tpu.memref_slice %arg8[%add3A_51, %dma_wait3A] : memref<10112x128xf32, #tpu.memory_space<hbm>> -> memref<128x128xf32, #tpu.memory_space<hbm>>
          %dma_wait3A_56 = arith.constant 0 : i32
          %dma_wait3A_57 = tpu.memref_slice %arg17[%add3A_48, %dma_wait3A_56] : memref<10112x128xf32, #tpu.memory_space<vmem_shared>> -> memref<128x128xf32, #tpu.memory_space<vmem_shared>>
          tpu.wait_dma2 semaphore(%run_scoped3A : memref<!tpu.dma_semaphore, #tpu.memory_space<semaphore_mem>>) src(%dma_wait3A_57 : memref<128x128xf32, #tpu.memory_space<vmem_shared>>) dst(%dma_wait3A_55 : memref<128x128xf32, #tpu.memory_space<hbm>>)
          tpu.yield
        }) : () -> ()
      }
      %scan3A_36 = arith.constant 4 : i32
      %add3A_37 = arith.constant 512 : i32
      %add3A_38 = arith.addi %mul3A_7, %add3A_37 : i32
      %add3A_39 = arith.constant 512 : i32
      %add3A_40 = arith.addi %mul3A_7, %add3A_39 : i32
      "tpu.region"() ({
        %run_scoped3A = tpu.sem_alloc : memref<!tpu.dma_semaphore, #tpu.memory_space<semaphore_mem>>
        %dma_start3A = arith.constant 0 : i32
        %dma_start3A_41 = tpu.memref_slice %arg8[%add3A_40, %dma_start3A] : memref<10112x128xf32, #tpu.memory_space<hbm>> -> memref<120x128xf32, #tpu.memory_space<hbm>>
        %dma_start3A_42 = arith.constant 0 : i32
        %dma_start3A_43 = tpu.memref_slice %arg17[%add3A_38, %dma_start3A_42] : memref<10112x128xf32, #tpu.memory_space<vmem_shared>> -> memref<120x128xf32, #tpu.memory_space<vmem_shared>>
        tpu.enqueue_dma source(%dma_start3A_43 : memref<120x128xf32, #tpu.memory_space<vmem_shared>>) target(%dma_start3A_41 : memref<120x128xf32, #tpu.memory_space<hbm>>) target_semaphore(%run_scoped3A : memref<!tpu.dma_semaphore, #tpu.memory_space<semaphore_mem>>)
        %dma_wait3A = arith.constant 0 : i32
        %dma_wait3A_44 = tpu.memref_slice %arg8[%add3A_40, %dma_wait3A] : memref<10112x128xf32, #tpu.memory_space<hbm>> -> memref<120x128xf32, #tpu.memory_space<hbm>>
        %dma_wait3A_45 = arith.constant 0 : i32
        %dma_wait3A_46 = tpu.memref_slice %arg17[%add3A_38, %dma_wait3A_45] : memref<10112x128xf32, #tpu.memory_space<vmem_shared>> -> memref<120x128xf32, #tpu.memory_space<vmem_shared>>
        tpu.wait_dma2 semaphore(%run_scoped3A : memref<!tpu.dma_semaphore, #tpu.memory_space<semaphore_mem>>) src(%dma_wait3A_46 : memref<120x128xf32, #tpu.memory_space<vmem_shared>>) dst(%dma_wait3A_44 : memref<120x128xf32, #tpu.memory_space<hbm>>)
        tpu.yield
      }) : () -> ()
    } else {
    }
    %eq3A_17 = arith.constant 1 : i32
    %eq3A_18 = arith.cmpi eq, %arg0, %eq3A_17 : i32
    %convert_element_type3A_19 = arith.extui %eq3A_18 : i1 to i32
    %cond3A_20 = arith.constant 0 : i32
    %cond3A_21 = arith.cmpi ne, %convert_element_type3A_19, %cond3A_20 : i32
    scf.if %cond3A_21 {
      %mul3A_22 = arith.constant 208 : i32
      %mul3A_23 = arith.muli %add3A, %mul3A_22 : i32
      %add3A_24 = arith.constant 1 : i32
      %add3A_25 = arith.addi %mul3A_23, %add3A_24 : i32
      %scan3A_26 = arith.constant 0 : i32
      %scan3A_27 = arith.constant 157 : i32
      %scan3A_28 = arith.addi %scan3A_26, %scan3A_27 : i32
      %scan3A_29 = arith.constant 1 : i32
      scf.for %scan3A_41 = %scan3A_26 to %scan3A_28 step %scan3A_29  : i32 {
        %mul3A_42 = arith.constant 1 : i32
        %mul3A_43 = arith.muli %scan3A_41, %mul3A_42 : i32
        %add3A_44 = arith.constant 0 : i32
        %add3A_45 = arith.addi %add3A_44, %mul3A_43 : i32
        %mul3A_46 = arith.constant 20096 : i32
        %mul3A_47 = arith.muli %arg1, %mul3A_46 : i32
        %mul3A_48 = arith.constant 128 : i32
        %mul3A_49 = arith.muli %add3A_45, %mul3A_48 : i32
        %add3A_50 = arith.addi %mul3A_47, %mul3A_49 : i32
        "tpu.region"() ({
          %run_scoped3A = tpu.sem_alloc : memref<!tpu.dma_semaphore, #tpu.memory_space<semaphore_mem>>
          %dma_start3A_71 = tpu.memref_slice %arg6[%add3A_50] : memref<321536xi32, #tpu.memory_space<hbm>> -> memref<128xi32, #tpu.memory_space<hbm>>
          %dma_start3A_72 = tpu.memref_slice %arg6[%add3A_50] : memref<321536xi32, #tpu.memory_space<hbm>> -> memref<128xi32, #tpu.memory_space<hbm>>
          tpu.enqueue_dma source(%dma_start3A_72 : memref<128xi32, #tpu.memory_space<hbm>>) target(%arg10 : memref<128xi32, #tpu.memory_space<vmem>>) target_semaphore(%run_scoped3A : memref<!tpu.dma_semaphore, #tpu.memory_space<semaphore_mem>>)
          %dma_wait3A_73 = tpu.memref_slice %arg6[%add3A_50] : memref<321536xi32, #tpu.memory_space<hbm>> -> memref<128xi32, #tpu.memory_space<hbm>>
          %dma_wait3A_74 = tpu.memref_slice %arg6[%add3A_50] : memref<321536xi32, #tpu.memory_space<hbm>> -> memref<128xi32, #tpu.memory_space<hbm>>
          tpu.wait_dma2 semaphore(%run_scoped3A : memref<!tpu.dma_semaphore, #tpu.memory_space<semaphore_mem>>) src(%dma_wait3A_74 : memref<128xi32, #tpu.memory_space<hbm>>) dst(%arg10 : memref<128xi32, #tpu.memory_space<vmem>>)
          tpu.yield
        }) : () -> ()
        "tpu.region"() ({
          %run_scoped3A = tpu.sem_alloc : memref<!tpu.dma_semaphore, #tpu.memory_space<semaphore_mem>>
          %dma_start3A_71 = tpu.memref_slice %arg5[%add3A_50] : memref<321536xi32, #tpu.memory_space<hbm>> -> memref<128xi32, #tpu.memory_space<hbm>>
          %dma_start3A_72 = tpu.memref_slice %arg5[%add3A_50] : memref<321536xi32, #tpu.memory_space<hbm>> -> memref<128xi32, #tpu.memory_space<hbm>>
          tpu.enqueue_dma source(%dma_start3A_72 : memref<128xi32, #tpu.memory_space<hbm>>) target(%arg11 : memref<128xi32, #tpu.memory_space<vmem>>) target_semaphore(%run_scoped3A : memref<!tpu.dma_semaphore, #tpu.memory_space<semaphore_mem>>)
          %dma_wait3A_73 = tpu.memref_slice %arg5[%add3A_50] : memref<321536xi32, #tpu.memory_space<hbm>> -> memref<128xi32, #tpu.memory_space<hbm>>
          %dma_wait3A_74 = tpu.memref_slice %arg5[%add3A_50] : memref<321536xi32, #tpu.memory_space<hbm>> -> memref<128xi32, #tpu.memory_space<hbm>>
          tpu.wait_dma2 semaphore(%run_scoped3A : memref<!tpu.dma_semaphore, #tpu.memory_space<semaphore_mem>>) src(%dma_wait3A_74 : memref<128xi32, #tpu.memory_space<hbm>>) dst(%arg11 : memref<128xi32, #tpu.memory_space<vmem>>)
          tpu.yield
        }) : () -> ()
        "tpu.region"() ({
          %run_scoped3A = tpu.sem_alloc : memref<!tpu.dma_semaphore, #tpu.memory_space<semaphore_mem>>
          %dma_start3A_71 = tpu.memref_slice %arg7[%add3A_50] : memref<321536xi32, #tpu.memory_space<hbm>> -> memref<128xi32, #tpu.memory_space<hbm>>
          %dma_start3A_72 = tpu.memref_slice %arg7[%add3A_50] : memref<321536xi32, #tpu.memory_space<hbm>> -> memref<128xi32, #tpu.memory_space<hbm>>
          tpu.enqueue_dma source(%dma_start3A_72 : memref<128xi32, #tpu.memory_space<hbm>>) target(%arg12 : memref<128xi32, #tpu.memory_space<vmem>>) target_semaphore(%run_scoped3A : memref<!tpu.dma_semaphore, #tpu.memory_space<semaphore_mem>>)
          %dma_wait3A_73 = tpu.memref_slice %arg7[%add3A_50] : memref<321536xi32, #tpu.memory_space<hbm>> -> memref<128xi32, #tpu.memory_space<hbm>>
          %dma_wait3A_74 = tpu.memref_slice %arg7[%add3A_50] : memref<321536xi32, #tpu.memory_space<hbm>> -> memref<128xi32, #tpu.memory_space<hbm>>
          tpu.wait_dma2 semaphore(%run_scoped3A : memref<!tpu.dma_semaphore, #tpu.memory_space<semaphore_mem>>) src(%dma_wait3A_74 : memref<128xi32, #tpu.memory_space<hbm>>) dst(%arg12 : memref<128xi32, #tpu.memory_space<vmem>>)
          tpu.yield
        }) : () -> ()
        %scan3A_51 = arith.constant 0 : i32
        %scan3A_52 = arith.constant 8 : i32
        %scan3A_53 = arith.addi %scan3A_51, %scan3A_52 : i32
        %scan3A_54 = arith.constant 1 : i32
        scf.for %scan3A_71 = %scan3A_51 to %scan3A_53 step %scan3A_54  : i32 {
          %mul3A_72 = arith.constant 16 : i32
          %mul3A_73 = arith.muli %scan3A_71, %mul3A_72 : i32
          %add3A_74 = arith.constant 0 : i32
          %add3A_75 = arith.addi %add3A_74, %mul3A_73 : i32
          %get3A = arith.index_cast %add3A_75 : i32 to index
          %get3A_76 = tpu.vector_load %arg12[%get3A] {strides = array<i32>} : memref<128xi32, #tpu.memory_space<vmem>>, vector<16xi32>,
          %mul3A_77 = arith.constant 2 : i32
          %mul3A_78 = vector.broadcast %mul3A_77 : i32 to vector<16xi32>
          %mul3A_79 = arith.muli %get3A_76, %mul3A_78 : vector<16xi32>
          %add3A_80 = vector.broadcast %add3A_25 : i32 to vector<16xi32>
          %add3A_81 = arith.addi %mul3A_79, %add3A_80 : vector<16xi32>
          %swap3A = arith.index_cast %add3A_75 : i32 to index
          %swap3A_82 = tpu.vector_load %arg13[%swap3A] {strides = array<i32>} : memref<128xi32, #tpu.memory_space<vmem>>, vector<16xi32>,
          tpu.vector_store %arg13[%swap3A], %add3A_81 {strides = array<i32>} : memref<128xi32, #tpu.memory_space<vmem>>, vector<16xi32>,
        }
        %scan3A_55 = arith.constant 8 : i32
        %dma_start3A = arith.constant 0 : i32
        %dma_start3A_56 = arith.constant 0 : i32
        %dma_start3A_57 = tpu.memref_slice %arg3[%dma_start3A, %dma_start3A_56] : memref<10112x128xf32, #tpu.memory_space<hbm>> -> memref<10112x128xf32, #tpu.memory_space<hbm>>
        tpu.enqueue_indirect_dma source(%dma_start3A_57 : memref<10112x128xf32, #tpu.memory_space<hbm>>) target(%arg14 : memref<128x128xf32, #tpu.memory_space<vmem>>) offsets(%arg10 : memref<128xi32, #tpu.memory_space<vmem>>) semaphore(%arg18 : memref<!tpu.dma_semaphore, #tpu.memory_space<semaphore_mem>>)
        %dma_start3A_58 = arith.constant 0 : i32
        %dma_start3A_59 = arith.constant 0 : i32
        %dma_start3A_60 = tpu.memref_slice %arg4[%dma_start3A_58, %dma_start3A_59] : memref<6656x128xf32, #tpu.memory_space<hbm>> -> memref<6656x128xf32, #tpu.memory_space<hbm>>
        tpu.enqueue_indirect_dma source(%dma_start3A_60 : memref<6656x128xf32, #tpu.memory_space<hbm>>) target(%arg15 : memref<128x128xf32, #tpu.memory_space<vmem>>) offsets(%arg13 : memref<128xi32, #tpu.memory_space<vmem>>) semaphore(%arg19 : memref<!tpu.dma_semaphore, #tpu.memory_space<semaphore_mem>>)
        %dma_wait3A = arith.constant 0 : i32
        %dma_wait3A_61 = arith.constant 0 : i32
        %dma_wait3A_62 = tpu.memref_slice %arg3[%dma_wait3A, %dma_wait3A_61] : memref<10112x128xf32, #tpu.memory_space<hbm>> -> memref<10112x128xf32, #tpu.memory_space<hbm>>
        tpu.wait_indirect_dma semaphore(%arg18 : memref<!tpu.dma_semaphore, #tpu.memory_space<semaphore_mem>>) src(%dma_wait3A_62 : memref<10112x128xf32, #tpu.memory_space<hbm>>) dst(%arg14 : memref<128x128xf32, #tpu.memory_space<vmem>>)
        %dma_wait3A_63 = arith.constant 0 : i32
        %dma_wait3A_64 = arith.constant 0 : i32
        %dma_wait3A_65 = tpu.memref_slice %arg4[%dma_wait3A_63, %dma_wait3A_64] : memref<6656x128xf32, #tpu.memory_space<hbm>> -> memref<6656x128xf32, #tpu.memory_space<hbm>>
        tpu.wait_indirect_dma semaphore(%arg19 : memref<!tpu.dma_semaphore, #tpu.memory_space<semaphore_mem>>) src(%dma_wait3A_65 : memref<6656x128xf32, #tpu.memory_space<hbm>>) dst(%arg15 : memref<128x128xf32, #tpu.memory_space<vmem>>)
        %scan3A_66 = arith.constant 0 : i32
        %scan3A_67 = arith.constant 128 : i32
        %scan3A_68 = arith.addi %scan3A_66, %scan3A_67 : i32
        %scan3A_69 = arith.constant 1 : i32
        scf.for %scan3A_71 = %scan3A_66 to %scan3A_68 step %scan3A_69  : i32 {
          %mul3A_72 = arith.constant 1 : i32
          %mul3A_73 = arith.muli %scan3A_71, %mul3A_72 : i32
          %add3A_74 = arith.constant 0 : i32
          %add3A_75 = arith.addi %add3A_74, %mul3A_73 : i32
          %scan3A_76 = arith.constant 0 : i32
          %scan3A_77 = arith.constant 8 : i32
          %scan3A_78 = arith.addi %scan3A_76, %scan3A_77 : i32
          %scan3A_79 = arith.constant 1 : i32
          scf.for %scan3A_81 = %scan3A_76 to %scan3A_78 step %scan3A_79  : i32 {
            %mul3A_82 = arith.constant 16 : i32
            %mul3A_83 = arith.muli %scan3A_81, %mul3A_82 : i32
            %add3A_84 = arith.constant 0 : i32
            %add3A_85 = arith.addi %add3A_84, %mul3A_83 : i32
            %get3A = arith.index_cast %add3A_75 : i32 to index
            %get3A_86 = arith.index_cast %add3A_85 : i32 to index
            %get3A_87 = tpu.vector_load %arg14[%get3A, %get3A_86] {strides = array<i32>} : memref<128x128xf32, #tpu.memory_space<vmem>>, vector<16xf32>,
            %get3A_88 = arith.index_cast %add3A_75 : i32 to index
            %get3A_89 = arith.index_cast %add3A_85 : i32 to index
            %get3A_90 = tpu.vector_load %arg15[%get3A_88, %get3A_89] {strides = array<i32>} : memref<128x128xf32, #tpu.memory_space<vmem>>, vector<16xf32>,
            %mul3A_91 = arith.mulf %get3A_87, %get3A_90 : vector<16xf32>
            %swap3A = arith.index_cast %add3A_75 : i32 to index
            %swap3A_92 = arith.index_cast %add3A_85 : i32 to index
            %swap3A_93 = tpu.vector_load %arg14[%swap3A, %swap3A_92] {strides = array<i32>} : memref<128x128xf32, #tpu.memory_space<vmem>>, vector<16xf32>,
            tpu.vector_store %arg14[%swap3A, %swap3A_92], %mul3A_91 {strides = array<i32>} : memref<128x128xf32, #tpu.memory_space<vmem>>, vector<16xf32>,
          }
          %scan3A_80 = arith.constant 8 : i32
        }
        %scan3A_70 = arith.constant 128 : i32
        "tpu.region"() ({
          %run_scoped3A = tpu.sem_alloc : memref<!tpu.dma_semaphore, #tpu.memory_space<semaphore_mem>>
          %dma_start3A_71 = arith.constant 0 : i32
          %dma_start3A_72 = arith.constant 0 : i32
          %dma_start3A_73 = tpu.memref_slice %arg17[%dma_start3A_71, %dma_start3A_72] : memref<10112x128xf32, #tpu.memory_space<vmem_shared>> -> memref<10112x128xf32, #tpu.memory_space<vmem_shared>>
          tpu.enqueue_indirect_dma source(%arg14 : memref<128x128xf32, #tpu.memory_space<vmem>>) target(%dma_start3A_73 : memref<10112x128xf32, #tpu.memory_space<vmem_shared>>) offsets(%arg11 : memref<128xi32, #tpu.memory_space<vmem>>) semaphore(%run_scoped3A : memref<!tpu.dma_semaphore, #tpu.memory_space<semaphore_mem>>) {add = true}
          %dma_wait3A_74 = arith.constant 0 : i32
          %dma_wait3A_75 = arith.constant 0 : i32
          %dma_wait3A_76 = tpu.memref_slice %arg17[%dma_wait3A_74, %dma_wait3A_75] : memref<10112x128xf32, #tpu.memory_space<vmem_shared>> -> memref<10112x128xf32, #tpu.memory_space<vmem_shared>>
          tpu.wait_indirect_dma semaphore(%run_scoped3A : memref<!tpu.dma_semaphore, #tpu.memory_space<semaphore_mem>>) src(%arg14 : memref<128x128xf32, #tpu.memory_space<vmem>>) dst(%dma_wait3A_76 : memref<10112x128xf32, #tpu.memory_space<vmem_shared>>)
          tpu.yield
        }) : () -> ()
      }
      %scan3A_30 = arith.constant 157 : i32
      %barrier3A_31 = arith.constant 0 : index
      tpu.barrier barrier_id(%barrier3A_31)
      %scan3A_32 = arith.constant 0 : i32
      %scan3A_33 = arith.constant 4 : i32
      %scan3A_34 = arith.addi %scan3A_32, %scan3A_33 : i32
      %scan3A_35 = arith.constant 1 : i32
      scf.for %scan3A_41 = %scan3A_32 to %scan3A_34 step %scan3A_35  : i32 {
        %mul3A_42 = arith.constant 1 : i32
        %mul3A_43 = arith.muli %scan3A_41, %mul3A_42 : i32
        %add3A_44 = arith.constant 0 : i32
        %add3A_45 = arith.addi %add3A_44, %mul3A_43 : i32
        %mul3A_46 = arith.constant 128 : i32
        %mul3A_47 = arith.muli %add3A_45, %mul3A_46 : i32
        %add3A_48 = arith.addi %mul3A_7, %mul3A_47 : i32
        %mul3A_49 = arith.constant 128 : i32
        %mul3A_50 = arith.muli %add3A_45, %mul3A_49 : i32
        %add3A_51 = arith.addi %mul3A_7, %mul3A_50 : i32
        "tpu.region"() ({
          %run_scoped3A = tpu.sem_alloc : memref<!tpu.dma_semaphore, #tpu.memory_space<semaphore_mem>>
          %dma_start3A = arith.constant 0 : i32
          %dma_start3A_52 = tpu.memref_slice %arg9[%add3A_51, %dma_start3A] : memref<10112x128xf32, #tpu.memory_space<hbm>> -> memref<128x128xf32, #tpu.memory_space<hbm>>
          %dma_start3A_53 = arith.constant 0 : i32
          %dma_start3A_54 = tpu.memref_slice %arg17[%add3A_48, %dma_start3A_53] : memref<10112x128xf32, #tpu.memory_space<vmem_shared>> -> memref<128x128xf32, #tpu.memory_space<vmem_shared>>
          tpu.enqueue_dma source(%dma_start3A_54 : memref<128x128xf32, #tpu.memory_space<vmem_shared>>) target(%dma_start3A_52 : memref<128x128xf32, #tpu.memory_space<hbm>>) target_semaphore(%run_scoped3A : memref<!tpu.dma_semaphore, #tpu.memory_space<semaphore_mem>>)
          %dma_wait3A = arith.constant 0 : i32
          %dma_wait3A_55 = tpu.memref_slice %arg9[%add3A_51, %dma_wait3A] : memref<10112x128xf32, #tpu.memory_space<hbm>> -> memref<128x128xf32, #tpu.memory_space<hbm>>
          %dma_wait3A_56 = arith.constant 0 : i32
          %dma_wait3A_57 = tpu.memref_slice %arg17[%add3A_48, %dma_wait3A_56] : memref<10112x128xf32, #tpu.memory_space<vmem_shared>> -> memref<128x128xf32, #tpu.memory_space<vmem_shared>>
          tpu.wait_dma2 semaphore(%run_scoped3A : memref<!tpu.dma_semaphore, #tpu.memory_space<semaphore_mem>>) src(%dma_wait3A_57 : memref<128x128xf32, #tpu.memory_space<vmem_shared>>) dst(%dma_wait3A_55 : memref<128x128xf32, #tpu.memory_space<hbm>>)
          tpu.yield
        }) : () -> ()
      }
      %scan3A_36 = arith.constant 4 : i32
      %add3A_37 = arith.constant 512 : i32
      %add3A_38 = arith.addi %mul3A_7, %add3A_37 : i32
      %add3A_39 = arith.constant 512 : i32
      %add3A_40 = arith.addi %mul3A_7, %add3A_39 : i32
      "tpu.region"() ({
        %run_scoped3A = tpu.sem_alloc : memref<!tpu.dma_semaphore, #tpu.memory_space<semaphore_mem>>
        %dma_start3A = arith.constant 0 : i32
        %dma_start3A_41 = tpu.memref_slice %arg9[%add3A_40, %dma_start3A] : memref<10112x128xf32, #tpu.memory_space<hbm>> -> memref<120x128xf32, #tpu.memory_space<hbm>>
        %dma_start3A_42 = arith.constant 0 : i32
        %dma_start3A_43 = tpu.memref_slice %arg17[%add3A_38, %dma_start3A_42] : memref<10112x128xf32, #tpu.memory_space<vmem_shared>> -> memref<120x128xf32, #tpu.memory_space<vmem_shared>>
        tpu.enqueue_dma source(%dma_start3A_43 : memref<120x128xf32, #tpu.memory_space<vmem_shared>>) target(%dma_start3A_41 : memref<120x128xf32, #tpu.memory_space<hbm>>) target_semaphore(%run_scoped3A : memref<!tpu.dma_semaphore, #tpu.memory_space<semaphore_mem>>)
        %dma_wait3A = arith.constant 0 : i32
        %dma_wait3A_44 = tpu.memref_slice %arg9[%add3A_40, %dma_wait3A] : memref<10112x128xf32, #tpu.memory_space<hbm>> -> memref<120x128xf32, #tpu.memory_space<hbm>>
        %dma_wait3A_45 = arith.constant 0 : i32
        %dma_wait3A_46 = tpu.memref_slice %arg17[%add3A_38, %dma_wait3A_45] : memref<10112x128xf32, #tpu.memory_space<vmem_shared>> -> memref<120x128xf32, #tpu.memory_space<vmem_shared>>
        tpu.wait_dma2 semaphore(%run_scoped3A : memref<!tpu.dma_semaphore, #tpu.memory_space<semaphore_mem>>) src(%dma_wait3A_46 : memref<120x128xf32, #tpu.memory_space<vmem_shared>>) dst(%dma_wait3A_44 : memref<120x128xf32, #tpu.memory_space<hbm>>)
        tpu.yield
      }) : () -> ()
    } else {
    }
    return
  }
}

module attributes {stable_mosaic.version = 14 : i64} {
  func.func @_tc_prescale_body(%arg0: memref<32x2x10112xf32, #tpu.memory_space<vmem>>, %arg1: memref<10112x128xf32, #tpu.memory_space<vmem>>, %arg2: memref<10112x128xf32, #tpu.memory_space<vmem>>, %arg3: memref<10112x128xf32, #tpu.memory_space<vmem>>, %arg4: memref<10112x2xf32, #tpu.memory_space<vmem>>) attributes {dimension_semantics = [], scalar_prefetch = 0 : i64, scratch_operands = 0 : i64, tpu.core_type = #tpu.core_type<tc>} {
    %get3A = arith.constant 0 : index
    %get3A_0 = arith.constant 0 : index
    %get3A_1 = arith.constant 0 : index
    %get3A_2 = vector.load %arg0[%get3A, %get3A_0, %get3A_1] : memref<32x2x10112xf32, #tpu.memory_space<vmem>>, vector<32x2x10112xf32>
    %reduce_sum3A = arith.constant dense<0.000000e+00> : vector<2x10112xf32>
    %reduce_sum3A_3 = vector.multi_reduction <add>, %get3A_2, %reduce_sum3A [0] : vector<32x2x10112xf32> to vector<2x10112xf32>
    %max3A = arith.constant 1.000000e+00 : f32
    %max3A_4 = vector.broadcast %max3A : f32 to vector<2x10112xf32>
    %max3A_5 = arith.maximumf %reduce_sum3A_3, %max3A_4 : vector<2x10112xf32>
    %rsqrt3A = math.rsqrt %max3A_5 : vector<2x10112xf32>
    %transpose3A = tpu.transpose %rsqrt3A, [1, 0] : vector<2x10112xf32> -> vector<10112x2xf32>
    %swap3A = arith.constant 0 : index
    %swap3A_6 = arith.constant 0 : index
    %swap3A_7 = vector.load %arg4[%swap3A, %swap3A_6] : memref<10112x2xf32, #tpu.memory_space<vmem>>, vector<10112x2xf32>
    tpu.vector_store %arg4[%swap3A, %swap3A_6], %transpose3A {strides = array<i32>} : memref<10112x2xf32, #tpu.memory_space<vmem>>, vector<10112x2xf32>,
    %get3A_8 = arith.constant 0 : index
    %get3A_9 = arith.constant 0 : index
    %get3A_10 = vector.load %arg1[%get3A_8, %get3A_9] : memref<10112x128xf32, #tpu.memory_space<vmem>>, vector<10112x128xf32>
    %slice3A = vector.extract_strided_slice %transpose3A {offsets = [0, 0], sizes = [10112, 1], strides = [1, 1]} : vector<10112x2xf32> to vector<10112x1xf32>
    %mul3A = vector.broadcast %slice3A : vector<10112x1xf32> to vector<10112x128xf32>
    %mul3A_11 = arith.mulf %get3A_10, %mul3A : vector<10112x128xf32>
    %swap3A_12 = arith.constant 0 : index
    %swap3A_13 = arith.constant 0 : index
    %swap3A_14 = vector.load %arg2[%swap3A_12, %swap3A_13] : memref<10112x128xf32, #tpu.memory_space<vmem>>, vector<10112x128xf32>
    tpu.vector_store %arg2[%swap3A_12, %swap3A_13], %mul3A_11 {strides = array<i32>} : memref<10112x128xf32, #tpu.memory_space<vmem>>, vector<10112x128xf32>,
    %slice3A_15 = vector.extract_strided_slice %transpose3A {offsets = [0, 1], sizes = [10112, 1], strides = [1, 1]} : vector<10112x2xf32> to vector<10112x1xf32>
    %mul3A_16 = vector.broadcast %slice3A_15 : vector<10112x1xf32> to vector<10112x128xf32>
    %mul3A_17 = arith.mulf %get3A_10, %mul3A_16 : vector<10112x128xf32>
    %swap3A_18 = arith.constant 0 : index
    %swap3A_19 = arith.constant 0 : index
    %swap3A_20 = vector.load %arg3[%swap3A_18, %swap3A_19] : memref<10112x128xf32, #tpu.memory_space<vmem>>, vector<10112x128xf32>
    tpu.vector_store %arg3[%swap3A_18, %swap3A_19], %mul3A_17 {strides = array<i32>} : memref<10112x128xf32, #tpu.memory_space<vmem>>, vector<10112x128xf32>,
    return
  }
}

module attributes {stable_mosaic.version = 14 : i64} {
  func.func @_tc_mm_body(%arg0: i32, %arg1: memref<2000x128xf32, #tpu.memory_space<vmem>>, %arg2: memref<2000x128xf32, #tpu.memory_space<vmem>>, %arg3: memref<2000x128xf32, #tpu.memory_space<vmem>>, %arg4: memref<2000x2xf32, #tpu.memory_space<vmem>>, %arg5: memref<1x128xf32, #tpu.memory_space<vmem>>, %arg6: memref<128x128xf32, #tpu.memory_space<vmem>>, %arg7: memref<128x128xf32, #tpu.memory_space<vmem>>, %arg8: memref<128x128xf32, #tpu.memory_space<vmem>>, %arg9: memref<128xf32, #tpu.memory_space<vmem>>, %arg10: memref<2000x128xf32, #tpu.memory_space<vmem>>, %arg11: memref<8x128xf32, #tpu.memory_space<vmem>>) attributes {dimension_semantics = [#tpu.dimension_semantics<arbitrary>], iteration_bounds = array<i64: 5>, scalar_prefetch = 0 : i64, scratch_operands = 0 : i64, tpu.core_type = #tpu.core_type<tc>, window_params = [{transform_indices = @transform_0, window_bounds = array<i64: 2000, 128>}, {transform_indices = @transform_1, window_bounds = array<i64: 2000, 128>}, {transform_indices = @transform_2, window_bounds = array<i64: 2000, 128>}, {transform_indices = @transform_3, window_bounds = array<i64: 2000, 2>}, {pipeline_mode = #tpu.pipeline_mode<synchronous>, transform_indices = @transform_4, window_bounds = array<i64: 1, 128>}, {pipeline_mode = #tpu.pipeline_mode<synchronous>, transform_indices = @transform_5, window_bounds = array<i64: 128, 128>}, {pipeline_mode = #tpu.pipeline_mode<synchronous>, transform_indices = @transform_6, window_bounds = array<i64: 128, 128>}, {pipeline_mode = #tpu.pipeline_mode<synchronous>, transform_indices = @transform_7, window_bounds = array<i64: 128, 128>}, {pipeline_mode = #tpu.pipeline_mode<synchronous>, transform_indices = @transform_8, window_bounds = array<i64: 128>}, {transform_indices = @transform_9, window_bounds = array<i64: 2000, 128>}, {pipeline_mode = #tpu.pipeline_mode<synchronous>, transform_indices = @transform_10, window_bounds = array<i64: 8, 128>}]} {
    %get3A = arith.constant 0 : index
    %get3A_0 = arith.constant 0 : index
    %get3A_1 = vector.load %arg2[%get3A, %get3A_0] : memref<2000x128xf32, #tpu.memory_space<vmem>>, vector<2000x128xf32>
    %get3A_2 = arith.constant 0 : index
    %get3A_3 = arith.constant 1 : index
    %get3A_4 = vector.load %arg4[%get3A_2, %get3A_3] : memref<2000x2xf32, #tpu.memory_space<vmem>>, vector<2000x1xf32>
    %mul3A = vector.broadcast %get3A_4 : vector<2000x1xf32> to vector<2000x128xf32>
    %mul3A_5 = arith.mulf %get3A_1, %mul3A : vector<2000x128xf32>
    %get3A_6 = arith.constant 0 : index
    %get3A_7 = arith.constant 0 : index
    %get3A_8 = vector.load %arg3[%get3A_6, %get3A_7] : memref<2000x128xf32, #tpu.memory_space<vmem>>, vector<2000x128xf32>
    %get3A_9 = arith.constant 0 : index
    %get3A_10 = arith.constant 0 : index
    %get3A_11 = vector.load %arg4[%get3A_9, %get3A_10] : memref<2000x2xf32, #tpu.memory_space<vmem>>, vector<2000x1xf32>
    %mul3A_12 = vector.broadcast %get3A_11 : vector<2000x1xf32> to vector<2000x128xf32>
    %mul3A_13 = arith.mulf %get3A_8, %mul3A_12 : vector<2000x128xf32>
    %get3A_14 = arith.constant 0 : index
    %get3A_15 = arith.constant 0 : index
    %get3A_16 = vector.load %arg1[%get3A_14, %get3A_15] : memref<2000x128xf32, #tpu.memory_space<vmem>>, vector<2000x128xf32>
    %get3A_17 = arith.constant 0 : index
    %get3A_18 = arith.constant 0 : index
    %get3A_19 = vector.load %arg5[%get3A_17, %get3A_18] : memref<1x128xf32, #tpu.memory_space<vmem>>, vector<1x128xf32>
    %mul3A_20 = vector.broadcast %get3A_19 : vector<1x128xf32> to vector<2000x128xf32>
    %mul3A_21 = arith.mulf %get3A_16, %mul3A_20 : vector<2000x128xf32>
    %get3A_22 = arith.constant 0 : index
    %get3A_23 = arith.constant 0 : index
    %get3A_24 = vector.load %arg6[%get3A_22, %get3A_23] : memref<128x128xf32, #tpu.memory_space<vmem>>, vector<128x128xf32>
    %dot_general3A = arith.constant dense<0.000000e+00> : vector<2000x128xf32>
    %dot_general3A_25 = tpu.matmul %mul3A_21, %get3A_24, %dot_general3A {dimension_numbers = #tpu.dot_dimension_numbers<[1], [0], [0], [1], [0, 0, 1, 1], [], []>, precision = #tpu.contract_precision<fp32>, transpose_lhs_hint = false} : vector<2000x128xf32>, vector<128x128xf32>, vector<2000x128xf32> -> vector<2000x128xf32>
    %get3A_26 = arith.constant 0 : index
    %get3A_27 = arith.constant 0 : index
    %get3A_28 = vector.load %arg7[%get3A_26, %get3A_27] : memref<128x128xf32, #tpu.memory_space<vmem>>, vector<128x128xf32>
    %dot_general3A_29 = arith.constant dense<0.000000e+00> : vector<2000x128xf32>
    %dot_general3A_30 = tpu.matmul %mul3A_5, %get3A_28, %dot_general3A_29 {dimension_numbers = #tpu.dot_dimension_numbers<[1], [0], [0], [1], [0, 0, 1, 1], [], []>, precision = #tpu.contract_precision<fp32>, transpose_lhs_hint = false} : vector<2000x128xf32>, vector<128x128xf32>, vector<2000x128xf32> -> vector<2000x128xf32>
    %add3A = arith.addf %dot_general3A_25, %dot_general3A_30 : vector<2000x128xf32>
    %get3A_31 = arith.constant 0 : index
    %get3A_32 = arith.constant 0 : index
    %get3A_33 = vector.load %arg8[%get3A_31, %get3A_32] : memref<128x128xf32, #tpu.memory_space<vmem>>, vector<128x128xf32>
    %dot_general3A_34 = arith.constant dense<0.000000e+00> : vector<2000x128xf32>
    %dot_general3A_35 = tpu.matmul %mul3A_13, %get3A_33, %dot_general3A_34 {dimension_numbers = #tpu.dot_dimension_numbers<[1], [0], [0], [1], [0, 0, 1, 1], [], []>, precision = #tpu.contract_precision<fp32>, transpose_lhs_hint = false} : vector<2000x128xf32>, vector<128x128xf32>, vector<2000x128xf32> -> vector<2000x128xf32>
    %add3A_36 = arith.addf %add3A, %dot_general3A_35 : vector<2000x128xf32>
    %mul3A_37 = arith.constant 0.333333343 : f32
    %mul3A_38 = vector.broadcast %mul3A_37 : f32 to vector<2000x128xf32>
    %mul3A_39 = arith.mulf %add3A_36, %mul3A_38 : vector<2000x128xf32>
    %get3A_40 = arith.constant 0 : index
    %get3A_41 = vector.load %arg9[%get3A_40] : memref<128xf32, #tpu.memory_space<vmem>>, vector<128xf32>
    %broadcast_in_dim3A = vector.shape_cast %get3A_41 : vector<128xf32> to vector<1x128xf32>
    %add3A_42 = vector.broadcast %broadcast_in_dim3A : vector<1x128xf32> to vector<2000x128xf32>
    %add3A_43 = arith.addf %mul3A_39, %add3A_42 : vector<2000x128xf32>
    %swap3A = arith.constant 0 : index
    %swap3A_44 = arith.constant 0 : index
    %swap3A_45 = vector.load %arg10[%swap3A, %swap3A_44] : memref<2000x128xf32, #tpu.memory_space<vmem>>, vector<2000x128xf32>
    tpu.vector_store %arg10[%swap3A, %swap3A_44], %add3A_43 {strides = array<i32>} : memref<2000x128xf32, #tpu.memory_space<vmem>>, vector<2000x128xf32>,
    %eq3A = arith.constant 0 : i32
    %eq3A_46 = arith.cmpi eq, %arg0, %eq3A : i32
    %convert_element_type3A = arith.extui %eq3A_46 : i1 to i32
    %cond3A = arith.constant 0 : i32
    %cond3A_47 = arith.cmpi ne, %convert_element_type3A, %cond3A : i32
    scf.if %cond3A_47 {
      %broadcast_in_dim3A_59 = arith.constant 0.000000e+00 : f32
      %broadcast_in_dim3A_60 = vector.broadcast %broadcast_in_dim3A_59 : f32 to vector<8x128xf32>
      %swap3A_61 = arith.constant 0 : index
      %swap3A_62 = arith.constant 0 : index
      %swap3A_63 = vector.load %arg11[%swap3A_61, %swap3A_62] : memref<8x128xf32, #tpu.memory_space<vmem>>, vector<8x128xf32>
      tpu.vector_store %arg11[%swap3A_61, %swap3A_62], %broadcast_in_dim3A_60 {strides = array<i32>} : memref<8x128xf32, #tpu.memory_space<vmem>>, vector<8x128xf32>,
    } else {
    }
    %get3A_48 = arith.constant 0 : index
    %get3A_49 = arith.constant 0 : index
    %get3A_50 = vector.load %arg11[%get3A_48, %get3A_49] : memref<8x128xf32, #tpu.memory_space<vmem>>, vector<1x128xf32>
    %get3A_51 = vector.shape_cast %get3A_50 : vector<1x128xf32> to vector<128xf32>
    %reduce_sum3A = arith.constant dense<0.000000e+00> : vector<128xf32>
    %reduce_sum3A_52 = vector.multi_reduction <add>, %add3A_43, %reduce_sum3A [0] : vector<2000x128xf32> to vector<128xf32>
    %add3A_53 = arith.addf %get3A_51, %reduce_sum3A_52 : vector<128xf32>
    %swap3A_54 = arith.constant 0 : index
    %swap3A_55 = arith.constant 0 : index
    %swap3A_56 = vector.load %arg11[%swap3A_54, %swap3A_55] : memref<8x128xf32, #tpu.memory_space<vmem>>, vector<1x128xf32>
    %swap3A_57 = vector.shape_cast %swap3A_56 : vector<1x128xf32> to vector<128xf32>
    %swap3A_58 = vector.shape_cast %add3A_53 : vector<128xf32> to vector<1x128xf32>
    tpu.vector_store %arg11[%swap3A_54, %swap3A_55], %swap3A_58 {strides = array<i32>} : memref<8x128xf32, #tpu.memory_space<vmem>>, vector<1x128xf32>,
    return
  }
  func.func @transform_0(%arg0: i32) -> (i32, i32) {
    %c0_i32 = arith.constant 0 : i32
    %c0_i32_0 = arith.constant 0 : i32
    return %arg0, %c0_i32 : i32, i32
  }
  func.func @transform_1(%arg0: i32) -> (i32, i32) {
    %c0_i32 = arith.constant 0 : i32
    %c0_i32_0 = arith.constant 0 : i32
    return %arg0, %c0_i32 : i32, i32
  }
  func.func @transform_2(%arg0: i32) -> (i32, i32) {
    %c0_i32 = arith.constant 0 : i32
    %c0_i32_0 = arith.constant 0 : i32
    return %arg0, %c0_i32 : i32, i32
  }
  func.func @transform_3(%arg0: i32) -> (i32, i32) {
    %c0_i32 = arith.constant 0 : i32
    %c0_i32_0 = arith.constant 0 : i32
    return %arg0, %c0_i32 : i32, i32
  }
  func.func @transform_4(%arg0: i32) -> (i32, i32) {
    %c0_i32 = arith.constant 0 : i32
    %c0_i32_0 = arith.constant 0 : i32
    %c0_i32_1 = arith.constant 0 : i32
    return %c0_i32, %c0_i32_0 : i32, i32
  }
  func.func @transform_5(%arg0: i32) -> (i32, i32) {
    %c0_i32 = arith.constant 0 : i32
    %c0_i32_0 = arith.constant 0 : i32
    %c0_i32_1 = arith.constant 0 : i32
    return %c0_i32, %c0_i32_0 : i32, i32
  }
  func.func @transform_6(%arg0: i32) -> (i32, i32) {
    %c0_i32 = arith.constant 0 : i32
    %c0_i32_0 = arith.constant 0 : i32
    %c0_i32_1 = arith.constant 0 : i32
    return %c0_i32, %c0_i32_0 : i32, i32
  }
  func.func @transform_7(%arg0: i32) -> (i32, i32) {
    %c0_i32 = arith.constant 0 : i32
    %c0_i32_0 = arith.constant 0 : i32
    %c0_i32_1 = arith.constant 0 : i32
    return %c0_i32, %c0_i32_0 : i32, i32
  }
  func.func @transform_8(%arg0: i32) -> i32 {
    %c0_i32 = arith.constant 0 : i32
    %c0_i32_0 = arith.constant 0 : i32
    return %c0_i32 : i32
  }
  func.func @transform_9(%arg0: i32) -> (i32, i32) {
    %c0_i32 = arith.constant 0 : i32
    %c0_i32_0 = arith.constant 0 : i32
    return %arg0, %c0_i32 : i32, i32
  }
  func.func @transform_10(%arg0: i32) -> (i32, i32) {
    %c0_i32 = arith.constant 0 : i32
    %c0_i32_0 = arith.constant 0 : i32
    %c0_i32_1 = arith.constant 0 : i32
    return %c0_i32, %c0_i32_0 : i32, i32
  }
}

module attributes {stable_mosaic.version = 14 : i64} {
  func.func @_tc_norm_body(%arg0: memref<10000x128xf32, #tpu.memory_space<vmem>>, %arg1: memref<8x128xf32, #tpu.memory_space<vmem>>, %arg2: memref<128xf32, #tpu.memory_space<vmem>>, %arg3: memref<128xf32, #tpu.memory_space<vmem>>, %arg4: memref<200x128xf32, #tpu.memory_space<vmem>>, %arg5: memref<128x128xf32, #tpu.memory_space<vmem>>, %arg6: memref<10000x128xf32, #tpu.memory_space<vmem>>, %arg7: memref<200x128xf32, #tpu.memory_space<vmem>>) attributes {dimension_semantics = [], scalar_prefetch = 0 : i64, scratch_operands = 0 : i64, tpu.core_type = #tpu.core_type<tc>} {
    %get3A = arith.constant 0 : index
    %get3A_0 = arith.constant 0 : index
    %get3A_1 = vector.load %arg1[%get3A, %get3A_0] : memref<8x128xf32, #tpu.memory_space<vmem>>, vector<1x128xf32>
    %get3A_2 = vector.shape_cast %get3A_1 : vector<1x128xf32> to vector<128xf32>
    %mul3A = arith.constant 9.99999974E-5 : f32
    %mul3A_3 = vector.broadcast %mul3A : f32 to vector<128xf32>
    %mul3A_4 = arith.mulf %get3A_2, %mul3A_3 : vector<128xf32>
    %get3A_5 = arith.constant 0 : index
    %get3A_6 = arith.constant 0 : index
    %get3A_7 = vector.load %arg0[%get3A_5, %get3A_6] : memref<10000x128xf32, #tpu.memory_space<vmem>>, vector<10000x128xf32>
    %broadcast_in_dim3A = vector.shape_cast %mul3A_4 : vector<128xf32> to vector<1x128xf32>
    %sub3A = vector.broadcast %broadcast_in_dim3A : vector<1x128xf32> to vector<10000x128xf32>
    %sub3A_8 = arith.subf %get3A_7, %sub3A : vector<10000x128xf32>
    %mul3A_9 = arith.mulf %sub3A_8, %sub3A_8 : vector<10000x128xf32>
    %reduce_sum3A = arith.constant dense<0.000000e+00> : vector<128xf32>
    %reduce_sum3A_10 = vector.multi_reduction <add>, %mul3A_9, %reduce_sum3A [0] : vector<10000x128xf32> to vector<128xf32>
    %div3A = arith.constant 1.000000e+04 : f32
    %div3A_11 = vector.broadcast %div3A : f32 to vector<128xf32>
    %div3A_12 = arith.divf %reduce_sum3A_10, %div3A_11 : vector<128xf32>
    %add3A = arith.constant 9.99999974E-6 : f32
    %add3A_13 = vector.broadcast %add3A : f32 to vector<128xf32>
    %add3A_14 = arith.addf %div3A_12, %add3A_13 : vector<128xf32>
    %rsqrt3A = math.rsqrt %add3A_14 : vector<128xf32>
    %get3A_15 = arith.constant 0 : index
    %get3A_16 = vector.load %arg2[%get3A_15] : memref<128xf32, #tpu.memory_space<vmem>>, vector<128xf32>
    %mul3A_17 = arith.mulf %rsqrt3A, %get3A_16 : vector<128xf32>
    %broadcast_in_dim3A_18 = vector.shape_cast %mul3A_17 : vector<128xf32> to vector<1x128xf32>
    %mul3A_19 = vector.broadcast %broadcast_in_dim3A_18 : vector<1x128xf32> to vector<10000x128xf32>
    %mul3A_20 = arith.mulf %sub3A_8, %mul3A_19 : vector<10000x128xf32>
    %get3A_21 = arith.constant 0 : index
    %get3A_22 = vector.load %arg3[%get3A_21] : memref<128xf32, #tpu.memory_space<vmem>>, vector<128xf32>
    %broadcast_in_dim3A_23 = vector.shape_cast %get3A_22 : vector<128xf32> to vector<1x128xf32>
    %add3A_24 = vector.broadcast %broadcast_in_dim3A_23 : vector<1x128xf32> to vector<10000x128xf32>
    %add3A_25 = arith.addf %mul3A_20, %add3A_24 : vector<10000x128xf32>
    %swap3A = arith.constant 0 : index
    %swap3A_26 = arith.constant 0 : index
    %swap3A_27 = vector.load %arg6[%swap3A, %swap3A_26] : memref<10000x128xf32, #tpu.memory_space<vmem>>, vector<10000x128xf32>
    tpu.vector_store %arg6[%swap3A, %swap3A_26], %add3A_25 {strides = array<i32>} : memref<10000x128xf32, #tpu.memory_space<vmem>>, vector<10000x128xf32>,
    %get3A_28 = arith.constant 0 : index
    %get3A_29 = arith.constant 0 : index
    %get3A_30 = vector.load %arg4[%get3A_28, %get3A_29] : memref<200x128xf32, #tpu.memory_space<vmem>>, vector<200x128xf32>
    %get3A_31 = arith.constant 0 : index
    %get3A_32 = arith.constant 0 : index
    %get3A_33 = vector.load %arg5[%get3A_31, %get3A_32] : memref<128x128xf32, #tpu.memory_space<vmem>>, vector<128x128xf32>
    %dot_general3A = arith.constant dense<0.000000e+00> : vector<200x128xf32>
    %dot_general3A_34 = tpu.matmul %get3A_30, %get3A_33, %dot_general3A {dimension_numbers = #tpu.dot_dimension_numbers<[1], [1], [0], [0], [0, 0, 1, 0], [], []>, precision = #tpu.contract_precision<fp32>, transpose_lhs_hint = false} : vector<200x128xf32>, vector<128x128xf32>, vector<200x128xf32> -> vector<200x128xf32>
    %swap3A_35 = arith.constant 0 : index
    %swap3A_36 = arith.constant 0 : index
    %swap3A_37 = vector.load %arg7[%swap3A_35, %swap3A_36] : memref<200x128xf32, #tpu.memory_space<vmem>>, vector<200x128xf32>
    tpu.vector_store %arg7[%swap3A_35, %swap3A_36], %dot_general3A_34 {strides = array<i32>} : memref<200x128xf32, #tpu.memory_space<vmem>>, vector<200x128xf32>,
    return
  }
}

</mosaic_0001>

<sc_bundles>
// kernel: kernel.10.cloned.1.call-start
scs
__scs_entry_jumppad:
0x0: {  	(pc) =	sbr.rel $0x88, $3  }
0x1: {  	(tag) =	ssettag $0x0;
	lr =	simm.s32 $0x1  }
0x2: {  	[smem:$0x3F95] =	sst lr;
	_ =	strace $0xD0000000  }
0x3: {  	_ = 	snop  }
0x4: {  	_ = 	snop  }
0x5: {  	_ = 	snop  }
0x6: {  	_ = 	snop  }
0x7: {  	_ = 	snop  }
__scs_overlays_trampoline_lowered:
0x8: {  	[smem:$0x3FA4] =	sst s0  }
0x9: {  	[smem:$0x3FA5] =	sst s1  }
0xa: {  	[smem:$0x3FA6] =	sst s2  }
0xb: {  	[smem:$0x3FA7] =	sst s3  }
0xc: {  	[smem:$0x3FA8] =	sst s4  }
0xd: {  	[smem:$0x3FA9] =	sst s5  }
0xe: {  	[smem:$0x3FAA] =	sst s6  }
0xf: {  	[smem:$0x3FAB] =	sst s7  }
0x10: {  	[smem:$0x3FAC] =	sst s8  }
0x11: {  	[smem:$0x3FAD] =	sst s9;
	s0 =	simm.s32 @!p0 $0x0  }
0x12: {  	s1 =	sld [smem:$0x3F93];
	s0 =	simm.s32 @p0 $0x1  }
0x13: {  	[smem:$0x3FAE] =	sst s0;
	s0 =	simm.s32 @!p1 $0x0  }
0x14: {  	s2 =	sld [smem:$0x3F92];
	s0 =	simm.s32 @p1 $0x1  }
0x15: {  	[smem:$0x3FAF] =	sst s0;
	s0 =	simm.s32 @!p2 $0x0  }
0x16: {  	s3 =	sld [smem:$0x3FDB];
	s0 =	simm.s32 @p2 $0x1  }
0x17: {  	s4 =	simm.s32 $0x1BF5;
	[smem:$0x3FB1] =	sst s0  }
0x18: {  	s0 =	sld [smem:$0x3F94];
	_ =	swait.ge [sflag:s4], $0x0  }
0x19: {  	s7 =	sld [smem:$0x3F95]  }
0x1a: {  	s8 =	sadd.s32 $0xFFFFE003, lr  }
0x1b: {  	s9 =	sadd.s32 $0xFFFFFEF7, lr;
	s5 =	simm.s32 $0xFFFFFFFF;
	p2 =	slt.u32 s8, $0xFFFFF086  }
0x1c: {  	p1 =	slt.u32 s9, $0xF7A;
	s5 =	simm.s32 @!p2 $0x0  }
0x1d: {  	s5 =	simm.s32 @p1 $0x1;
	p0 =	seq.s32 s7, s2  }
0x1e: {  	s7 =	smul.u32 @!p0 $0xF7A, s2;
	p2 =	seq.s32 @!p0 s5, $0x0  }
0x1f: {  	s9 =	smul.u32 $0xF7A, s1;
	s8 =	simm.s32 @!p0 $0x1BF5;
	p2 =	por !p2, p0  }
0x20: {  	[sflag:s8] =	ssyncset.s32 @!p0 $0xFFFFF086;
	s6 =	sadd.s32 @!p0 s3, s7;
	s7 =	simm.s32 @!p0 $0x108  }
0x21: {  	s3 =	sadd.s32 s3, s9;
	s6 =	sadd.s32 @!p0 $0x88, s6;
	s7 =	simm.s32 @p2 $0x1082  }
0x22: {  	[simem:s7], [sflag:s8] =	dma.local @!p0 [hbm:s6], $0xF7A  }
0x23: {  	s9 =	sor.u32 $0xD0000000, s2;
	s6 =	simm.s32 $0x108;
	_ =	swait.ge @!p0 [sflag:s8], $0x0  }
0x24: {  	s3 =	sadd.s32 $0x88, s3;
	s6 =	simm.s32 @!p1 $0x1082;
	[sflag:s4] =	ssyncset.s32 $0xFFFFF086  }
0x25: {  	[simem:s6], [sflag:s4] =	dma.local [hbm:s3], $0xF7A  }
0x26: {  	[smem:$0x3F95] =	sst s1;
	(tag) =	ssettag s2;
	_ =	strace s9  }
0x27: {  	s1 =	sld [smem:$0x3FA5]  }
0x28: {  	s2 =	sld [smem:$0x3FA6]  }
0x29: {  	s4 =	sld [smem:$0x3FA8]  }
0x2a: {  	p0 =	seq.s32 s5, $0x0;
	s5 =	sld [smem:$0x3FA9]  }
0x2b: {  	s6 =	sld [smem:$0x3FAA]  }
0x2c: {  	s7 =	sld [smem:$0x3FAB]  }
0x2d: {  	s3 =	simm.s32 $0x108;
	s8 =	sld [smem:$0x3FAC]  }
0x2e: {  	s3 =	simm.s32 @!p0 $0x1082;
	s9 =	sld [smem:$0x3FAD]  }
0x2f: {  	lr =	sadd.s32 s0, s3;
	s0 =	sld [smem:$0x3FA4]  }
0x30: {  	s3 =	sld [smem:$0x3FA7]  }
0x31: {  	[smem:$0x3FB0] =	sst s10  }
0x32: {  	s10 =	sld [smem:$0x3FAE];
	_ =	sdelay $0x3  }
0x33: {  	p0 =	seq.s32 s10, $0x1;
	s10 =	sld [smem:$0x3FB0];
	_ =	sdelay $0x3  }
0x34: {  	[smem:$0x3FB0] =	sst s10  }
0x35: {  	s10 =	sld [smem:$0x3FAF];
	_ =	sdelay $0x3  }
0x36: {  	p1 =	seq.s32 s10, $0x1;
	s10 =	sld [smem:$0x3FB0];
	_ =	sdelay $0x3  }
0x37: {  	[smem:$0x3FB0] =	sst s10  }
0x38: {  	s10 =	sld [smem:$0x3FB1]  }
0x39: {  	_ = 	snop;
	(pc) =	sbr.ind lr, $3  }
0x3a: {  	_ = 	snop  }
0x3b: {  	_ = 	snop  }
0x3c: {  	p2 =	seq.s32 s10, $0x1;
	s10 =	sld [smem:$0x3FB0]  }
0x3d: {  	_ =	shalt  }
0x3e: {  	_ =	shalt  }
0x3f: {  	_ =	shalt  }
0x40: {  	_ =	shalt  }
0x41: {  	_ =	shalt  }
0x42: {  	_ =	shalt  }
0x43: {  	_ =	shalt  }
0x44: {  	_ =	shalt  }
0x45: {  	_ =	shalt  }
0x46: {  	_ =	shalt  }
0x47: {  	_ =	shalt  }
0x48: {  	_ =	shalt  }
0x49: {  	_ =	shalt  }
0x4a: {  	_ =	shalt  }
0x4b: {  	_ =	shalt  }
0x4c: {  	_ =	shalt  }
0x4d: {  	_ =	shalt  }
0x4e: {  	_ =	shalt  }
0x4f: {  	_ =	shalt  }
0x50: {  	_ =	shalt  }
0x51: {  	_ =	shalt  }
0x52: {  	_ =	shalt  }
0x53: {  	_ =	shalt  }
0x54: {  	_ =	shalt  }
0x55: {  	_ =	shalt  }
0x56: {  	_ =	shalt  }
0x57: {  	_ =	shalt  }
0x58: {  	_ =	shalt  }
0x59: {  	_ =	shalt  }
0x5a: {  	_ =	shalt  }
0x5b: {  	_ =	shalt  }
0x5c: {  	_ =	shalt  }
0x5d: {  	_ =	shalt  }
0x5e: {  	_ =	shalt  }
0x5f: {  	_ =	shalt  }
0x60: {  	_ =	shalt  }
0x61: {  	_ =	shalt  }
0x62: {  	_ =	shalt  }
0x63: {  	_ =	shalt  }
0x64: {  	_ =	shalt  }
0x65: {  	_ =	shalt  }
0x66: {  	_ =	shalt  }
0x67: {  	_ =	shalt  }
0x68: {  	_ =	shalt  }
0x69: {  	_ =	shalt  }
0x6a: {  	_ =	shalt  }
0x6b: {  	_ =	shalt  }
0x6c: {  	_ =	shalt  }
0x6d: {  	_ =	shalt  }
0x6e: {  	_ =	shalt  }
0x6f: {  	_ =	shalt  }
0x70: {  	_ =	shalt  }
0x71: {  	_ =	shalt  }
0x72: {  	_ =	shalt  }
0x73: {  	_ =	shalt  }
0x74: {  	_ =	shalt  }
0x75: {  	_ =	shalt  }
0x76: {  	_ =	shalt  }
0x77: {  	_ =	shalt  }
0x78: {  	_ =	shalt  }
0x79: {  	_ =	shalt  }
0x7a: {  	_ =	shalt  }
0x7b: {  	_ =	shalt  }
0x7c: {  	_ =	shalt  }
0x7d: {  	_ =	shalt  }
0x7e: {  	_ =	shalt  }
0x7f: {  	_ =	shalt  }
0x80: {  	_ =	shalt  }
0x81: {  	_ =	shalt  }
0x82: {  	_ =	shalt  }
0x83: {  	_ =	shalt  }
0x84: {  	_ =	shalt  }
0x85: {  	_ =	shalt  }
0x86: {  	_ =	shalt  }
0x87: {  	_ =	shalt  }
.Lfunc_end0:
.L_simem_size_0:
called_computation.1_lowered:
.L_overlay_start_0:
0x88: {  	s2 =	sld [smem:$0x3FD9]  }
0x89: {  	s3 =	sld [smem:$0x3FFE];
	_ =	sdelay $0x1  }
0x8a: {  	s1 =	srdreg.scid  }
0x8b: {  	s0 =	sand.u32 $0x1, s1  }
0x8c: {  	s14 =	sshll.u32 s0, $0xA;
	s2 =	sadd.s32 s3, s2  }
0x8d: {  	s2 =	sadd.s32 s2, s14  }
0x8e: {  	[smem:$0x3FBC] =	sst s2  }
0x8f: {  	_ = 	snop  }
0x90: {  	s2 =	sld [smem:$0x3FD0];
	_ =	sdelay $0x2  }
0x91: {  	s15 =	simm.s32 $0xA;
	s4 =	simm.s32 $0x10  }
0x92: {  	[smem:s4], [sflag:s15] =	dma.local [hbm:s2], $0x1  }
0x93: {  	_ =	swait.eq [sflag:s15], $0x1  }
0x94: {  	[sflag:s15] =	ssyncset.done $0x0  }
0x95: {  	[sflag:s15] =	ssyncadd.s32 $0xFFFFFFFF  }
0x96: {  	s16 =	sld [smem:$0x10];
	(tm) =	ssettm $0x1  }
0x97: {  	s17 =	sld [smem:$0x3FFB];
	_ =	sdelay $0x3  }
0x98: {  	_ =	strace s17  }
0x99: {  	s3 =	sld [smem:$0x3FFC];
	_ =	sdelay $0x3  }
0x9a: {  	_ =	strace s3  }
0x9b: {  	s3 =	sld [smem:$0x3FFD];
	_ =	sdelay $0x3  }
0x9c: {  	_ =	strace s3  }
0x9d: {  	_ =	strace $0x8FFFFFFF  }
0x9e: {  	s18 =	sld [smem:$0x3FDB];
	_ =	sdelay $0x1  }
0x9f: {  	s19 =	simm.s32 $_scs_section_size  }
0xa0: {  	s5 =	simm.s32 $_size__tile_overlayer_lowered;
	s6 =	simm.s32 $_tile_overlayer_lowered  }
0xa1: {  	s22 =	simm.s32 $0x1BFF;
	s21 =	sshll.u32 s6, $0x1;
	s3 =	sadd.s32 s19, s18  }
0xa2: {  	s7 =	simm.s32 $0x0;
	s20 =	sshll.u32 s5, $0x1;
	s5 =	sadd.s32 s21, s3  }
0xa3: {  	[timem:s7], [sflag:s22] =	dma.local [hbm:s5], s20  }
0xa4: {  	_ =	swait.ge [sflag:s22], s20  }
0xa5: {  	s4 =	ssub.s32 $0x0, s20;
	[sflag:s22] =	ssyncset.done $0x0  }
0xa6: {  	[sflag:s22] =	ssyncadd.s32 s4;
	_ =	sdelay $0x1  }
0xa7: {  	s23 =	simm.s32 $0x1B8B  }
0xa8: {  	_ =	swait.ge [sflag:s23], $0x1  }
0xa9: {  	[sflag:s23] =	ssyncset.done $0x0  }
0xaa: {  	s25 =	simm.s32 $0x1B8E;
	s24 =	sld [smem:$0x3FFE];
	[sflag:s23] =	ssyncadd.s32 $0xFFFFFFFF  }
0xab: {  	s26 =	simm.s32 $execute0_lowered;
	[smem:$0x3FD2] =	sst s25  }
0xac: {  	s5 =	sshll.u32 s26, $0x1;
	_ =	strace $0x80000049;
	[dreg:$0x1] =	wrdreg $0xFFFFFFFF  }
0xad: {  	s28 =	simm.s32 $_size_execute0_lowered;
	s3 =	sadd.s32 s3, s5;
	[dreg:$0x0] =	wrdreg $0x0  }
0xae: {  	s5 =	sshll.u32 s28, $0x1;
	[dreg:$0x2] =	wrdreg s3  }
0xaf: {  	[dreg:$0x3] =	wrdreg s5  }
0xb0: {  	[dreg:$0x4] =	wrdreg $0xC0  }
0xb1: {  	_ =	task [dreg:s7], $0x5FFFF  }
0xb2: {  	[dreg:$0x1] =	wrdreg $0xFFFFFFFF  }
0xb3: {  	[dreg:$0x0] =	wrdreg $0x60  }
0xb4: {  	[dreg:$0x2] =	wrdreg s24  }
0xb5: {  	[dreg:$0x3] =	wrdreg s16  }
0xb6: {  	[dreg:$0x4] =	wrdreg $0xC2000  }
0xb7: {  	[dreg:$0x5] =	wrdreg $0x9  }
0xb8: {  	_ =	task.clear_ibuf [dreg:s7], $0x6FFFF;
	_ =	strace $0x90000049  }
0xb9: {  	s29 =	simm.s32 $0x9;
	_ =	strace $0x8000004B  }
0xba: {  	_ =	swait.ge [sflag:s29], $0x1  }
0xbb: {  	[sflag:s29] =	ssyncadd.s32 $0xFFFFFFFF  }
0xbc: {  	_ =	strace $0x9000004B  }
0xbd: {  	_ =	sfence  }
0xbe: {  	s30 =	sld [smem:$0x0];
	_ =	sdelay $0x2  }
0xbf: {  	s31 =	sshll.u32 s1, $0xD;
	s1 =	sshrl.u32 s1, $0x2  }
0xc0: {  	s3 =	sand.u32 $0x4000, s31;
	s1 =	sadd.s32 s1, s30  }
0xc1: {  	s0 =	sor.u32 s3, s0;
	s1 =	sshll.u32 s1, $0x11  }
0xc2: {  	s0 =	sor.u32 s1, s0  }
0xc3: {  	s0 =	sadd.s32 $0x8F2B, s0  }
0xc4: {  	[sflag:s0] =	ssyncadd.remote.s32 $0x1  }
0xc5: {  	_ =	sfence.sel $0xFFFF  }
0xc6: {  	[dreg:$0x0] =	wrdreg $0xFFFFFFFF;
	(pc) =	sbr.abs _section_cstart, $3  }
0xc7: {  	[dreg:$0x1] =	wrdreg $0xFFFFFFFF  }
0xc8: {  	_ =	task.clear_ibuf [dreg:s7], $0x2FFFF;
	_ =	strace $0x9FFFFFFF  }
0xc9: {  	(tm) =	ssettm $0x7FFFFFFF  }
tec
execute0_lowered:
.L_overlay_start_1:
0x0: {  	(tag) =	ssettag $0x1  }
0x1: {  	s0 =	rddreg [dreg:$0x0]  }
0x2: {  	s1 =	rddreg [dreg:$0x1]  }
0x3: {  	s2 =	rddreg [dreg:$0x2];
	s3 =	simm.s32 $0x0;
	s6 =	srdreg.scid  }
0x4: {  	s17 =	stileid.u32;
	s28 =	simm.s32 $0x8200;
	s29 =	simm.s32 $0x3  }
0x5: {  	s30 =	simm.s32 $0x80;
	s31 =	simm.s32 $0x100;
	[smem:$0x7FF] =	sst s3  }
0x6: {  	s4 =	sadd.s32 $0x16E00, s0;
	s5 =	sadd.s32 $0x48400, s0;
	s11 =	smul.u32 $0x278, s17  }
0x7: {  	s7 =	sadd.s32 $0xD000, s0;
	s8 =	sadd.s32 $0x3200, s0;
	s12 =	smul.u32 $0x4F000, s17  }
0x8: {  	s9 =	sadd.s32 $0x3E600, s0;
	s6 =	sand.u32 $0x1, s6;
	s14 =	smul.u32 $0x9D, s17  }
0x9: {  	s10 =	sadd.s32 $0x97400, s0;
	s0 =	sadd.s32 $0xBEC00, s0;
	s26 =	smul.u32 $0x2780, s17  }
0xa: {  	_ =	strace $0x8000004A;
	[dreg:$0x4] =	wrdreg s10;
	s15 =	ssub.s32 $0x2, s6  }
0xb: {  	[dreg:$0x5] =	wrdreg s0;
	s18 =	sshll.u32 s6, $0x4;
	p0 =	seq.s32 s6, $0x1  }
0xc: {  	s6 =	simm.s32 $0x1;
	s16 =	sshrl.u32 s15, $0x1;
	s10 =	sor.u32 s17, s18  }
0xd: {  	s12 =	sshrl.u32 s12, $0x2;
	[dreg:$0xb] =	wrdreg s26;
	s21 =	sadd.s32 $0x80, s11  }
0xe: {  	s22 =	sadd.s32 $0x100, s11;
	s0 =	ssub.s32 s15, s16;
	s15 =	sadd.s32 $0x200, s11  }
0xf: {  	s12 =	sadd.s32 s12, s2;
	s16 =	smul.u32 $0xD0, s10;
	s19 =	sshll.u32 s15, $0x4  }
0x10: {  	s10 =	simm.s32 $0x180;
	s0 =	smax.u32 s0, $0x1;
	[dreg:$0x6] =	wrdreg s19  }
0x11: {  	s13 =	sshll.u32 s15, $0x7;
	s23 =	sadd.s32 $0x4000, s12;
	[dreg:$0x7] =	wrdreg s0  }
.Ltmp0:
0x12: {  	s24 =	sadd.s32 $0x8000, s12;
	[dreg:$0x8] =	wrdreg s23;
	(pc) =	sbr.rel .LBB2_1-.Ltmp0, $4  }
0x13: {  	s25 =	sadd.s32 $0xC000, s12;
	s15 =	simm.s32 $0x2;
	[dreg:$0x9] =	wrdreg s24  }
0x14: {  	s13 =	sadd.s32 s13, s2;
	s20 =	sor.u32 $0x1, s16;
	[dreg:$0xa] =	wrdreg s25  }
0x15: {  	s23 =	sadd.s32 $0x180, s11;
	s24 =	sshll.u32 s21, $0x4;
	s25 =	sshll.u32 s22, $0x4  }
0x16: {  	v2 =	vimm.f32 $0.0e+00;
	s0 =	simm.s32 $0x200;
	v0 =	vmov s16;
	s11 =	simm.s32 $0x4200;
	s26 =	sshll.u32 s23, $0x4;
	v1 =	vmov s20  }
.LBB2_12:
0x17: {  	s18 =	stileid.u32  }
0x18: {  	s17 =	rddreg [dreg:$0xb];
	[bflag:$0x0] =	sbarrier.arrive $0xFFFF;
	s18 =	sshll.u32 s18, $0x6  }
0x19: {  	s19 =	sshrl.u32 s12, $0x3;
	s17 =	sadd.s32 s16, s17;
	s18 =	sor.u32 $0x1C03, s18  }
0x1a: {  	[hbm:s17], [sflag:s18] =	dma.local [spmem:s19], $0x800  }
0x1b: {  	s19 =	sshll.u32 s21, $0x7;
	_ =	swait.ge [sflag:s29], $0x800  }
0x1c: {  	s17 =	sadd.s32 s19, s2;
	[sflag:s29] =	ssyncset.done $0x0  }
0x1d: {  	s20 =	sadd.s32 s16, s24;
	s17 =	sshrl.u32 s17, $0x3;
	[sflag:s29] =	ssyncadd.s32 $0xFFFFF800  }
0x1e: {  	[hbm:s20], [sflag:s18] =	dma.local [spmem:s17], $0x800  }
0x1f: {  	s19 =	sshll.u32 s22, $0x7;
	_ =	swait.ge [sflag:s29], $0x800  }
0x20: {  	s17 =	sadd.s32 s19, s2;
	[sflag:s29] =	ssyncset.done $0x0  }
0x21: {  	s20 =	sadd.s32 s16, s25;
	s17 =	sshrl.u32 s17, $0x3;
	[sflag:s29] =	ssyncadd.s32 $0xFFFFF800  }
0x22: {  	[hbm:s20], [sflag:s18] =	dma.local [spmem:s17], $0x800  }
0x23: {  	s19 =	sshll.u32 s23, $0x7;
	_ =	swait.ge [sflag:s29], $0x800  }
0x24: {  	s17 =	sadd.s32 s19, s2;
	[sflag:s29] =	ssyncset.done $0x0  }
0x25: {  	s20 =	sadd.s32 s16, s26;
	s17 =	sshrl.u32 s17, $0x3;
	[sflag:s29] =	ssyncadd.s32 $0xFFFFF800  }
0x26: {  	[hbm:s20], [sflag:s18] =	dma.local [spmem:s17], $0x800  }
0x27: {  	_ =	swait.ge [sflag:s29], $0x800  }
0x28: {  	[sflag:s29] =	ssyncset.done $0x0;
	s20 =	rddreg [dreg:$0x6]  }
0x29: {  	s19 =	sshrl.u32 s13, $0x3;
	s17 =	sadd.s32 s16, s20;
	[sflag:s29] =	ssyncadd.s32 $0xFFFFF800  }
0x2a: {  	[hbm:s17], [sflag:s18] =	dma.local [spmem:s19], $0x780  }
0x2b: {  	_ =	swait.ge [sflag:s29], $0x780  }
0x2c: {  	s3 =	sadd.s32 $0x1, s3;
	s20 =	rddreg [dreg:$0x7]  }
0x2d: {  	p1 =	sne.s32 s3, s20  }
.Ltmp1:
0x2e: {  	_ = 	snop;
	(pc) =	sbr.rel @!p1 .LBB2_13-.Ltmp1, $3  }
0x2f: {  	_ =	sdelay $0x1  }
0x30: {  	[sflag:s29] =	ssyncset.done $0x0  }
0x31: {  	[sflag:s29] =	ssyncadd.s32 $0xFFFFF880  }
.LBB2_1:
0x32: {  	s16 =	simm.s32 $0x0;
	s17 =	simm.s32 $0x200  }
.LBB2_2:
0x33: {  	p1 =	sne.s32 s17, $0xFE00;
	[tilespmem:s16+$0x8270] =	vst v2  }
0x34: {  	[tilespmem:s16+$0x8200] =	vst v2  }
0x35: {  	[tilespmem:s16+$0x8210] =	vst v2  }
.Ltmp2:
0x36: {  	[tilespmem:s16+$0x8220] =	vst v2;
	(pc) =	sbr.rel @p1 .LBB2_2-.Ltmp2, $4  }
0x37: {  	[tilespmem:s16+$0x8230] =	vst v2  }
0x38: {  	[tilespmem:s16+$0x8240] =	vst v2  }
0x39: {  	[tilespmem:s16+$0x8250] =	vst v2  }
0x3a: {  	[tilespmem:s16+$0x8260] =	vst v2;
	s16 =	sshra.s32 s17, $0x2;
	s17 =	sadd.s32 $0x200, s17  }
0x3b: {  	[tilespmem:s16+$0x8270] =	vst v2  }
0x3c: {  	[tilespmem:s16+$0x8200] =	vst v2  }
0x3d: {  	[tilespmem:s16+$0x8210] =	vst v2  }
0x3e: {  	[tilespmem:s16+$0x8220] =	vst v2  }
0x3f: {  	[tilespmem:s16+$0x8230] =	vst v2  }
0x40: {  	[tilespmem:s16+$0x8240] =	vst v2  }
0x41: {  	[tilespmem:s16+$0x8250] =	vst v2  }
0x42: {  	[tilespmem:s16+$0x8260] =	vst v2  }
0x43: {  	[spmem:s12] =	stream.linear.scatter [tilespmem:s28], [sflag:$0x3], $0x4000, $0x38;
	[tilespmem:$0x1FE00] =	vst v63  }
0x44: {  	_ =	swait.ge [sflag:s29], $0x4000  }
0x45: {  	[sflag:s29] =	ssyncset.done $0x0  }
0x46: {  	s18 =	rddreg [dreg:$0x8];
	[sflag:s29] =	ssyncadd.s32 $0xFFFFC000  }
0x47: {  	[spmem:s18] =	stream.linear.scatter [tilespmem:s28], [sflag:$0x3], $0x4000, $0x38;
	[tilespmem:$0x1FE00] =	vst v63  }
0x48: {  	_ =	swait.ge [sflag:s29], $0x4000  }
0x49: {  	[sflag:s29] =	ssyncset.done $0x0  }
0x4a: {  	s19 =	rddreg [dreg:$0x9];
	[sflag:s29] =	ssyncadd.s32 $0xFFFFC000  }
0x4b: {  	[spmem:s19] =	stream.linear.scatter [tilespmem:s28], [sflag:$0x3], $0x4000, $0x38;
	[tilespmem:$0x1FE00] =	vst v63  }
0x4c: {  	_ =	swait.ge [sflag:s29], $0x4000  }
0x4d: {  	[sflag:s29] =	ssyncset.done $0x0  }
0x4e: {  	s20 =	rddreg [dreg:$0xa];
	[sflag:s29] =	ssyncadd.s32 $0xFFFFC000  }
0x4f: {  	[spmem:s20] =	stream.linear.scatter [tilespmem:s28], [sflag:$0x3], $0x4000, $0x38;
	[tilespmem:$0x1FE00] =	vst v63  }
0x50: {  	_ =	swait.ge [sflag:s29], $0x4000  }
0x51: {  	[sflag:s29] =	ssyncset.done $0x0  }
0x52: {  	[sflag:s29] =	ssyncadd.s32 $0xFFFFC000  }
0x53: {  	[spmem:s13] =	stream.linear.scatter [tilespmem:s28], [sflag:$0x3], $0x3C00, $0x38;
	[tilespmem:$0x1FE00] =	vst v63  }
.Ltmp3:
0x54: {  	_ =	swait.ge [sflag:s29], $0x3C00;
	(pc) =	sbr.rel @!p0 .LBB2_4-.Ltmp3, $4  }
0x55: {  	[sflag:s29] =	ssyncset.done $0x0  }
0x56: {  	[sflag:s29] =	ssyncadd.s32 $0xFFFFC400  }
0x57: {  	[bflag:$0x0] =	sbarrier.arrive $0xFFFF  }
0x58: {  	s16 =	simm.s32 $0x0;
	s17 =	simm.s32 $0x0;
	s18 =	simm.s32 $0x0  }
.LBB2_8:
0x59: {  	s17 =	sadd.s32 s14, s18  }
0x5a: {  	s17 =	sshll.u32 s17, $0x4  }
0x5b: {  	s19 =	sadd.s32 s8, s17  }
0x5c: {  	[tilespmem:s16], [sflag:$0x3] =	stream.linear.gather [hbm4b:s19+s16], $0x80, $0x38;
	[tilespmem:$0x1FE00] =	vst v63  }
0x5d: {  	_ =	swait.ge [sflag:s29], $0x80  }
0x5e: {  	[sflag:s29] =	ssyncset.done $0x0  }
0x5f: {  	s20 =	sadd.s32 s7, s17;
	[sflag:s29] =	ssyncadd.s32 $0xFFFFFF80  }
0x60: {  	[tilespmem:s30], [sflag:$0x3] =	stream.linear.gather [hbm4b:s20+s16], $0x80, $0x38;
	[tilespmem:$0x1FE00] =	vst v63  }
0x61: {  	_ =	swait.ge [sflag:s29], $0x80  }
0x62: {  	[sflag:s29] =	ssyncset.done $0x0  }
0x63: {  	s17 =	sadd.s32 s9, s17;
	[sflag:s29] =	ssyncadd.s32 $0xFFFFFF80  }
0x64: {  	[tilespmem:s31], [sflag:$0x3] =	stream.linear.gather [hbm4b:s17+s16], $0x80, $0x38;
	[tilespmem:$0x1FE00] =	vst v63  }
0x65: {  	_ =	swait.ge [sflag:s29], $0x80  }
0x66: {  	[sflag:s29] =	ssyncset.done $0x0  }
0x67: {  	[sflag:s29] =	ssyncadd.s32 $0xFFFFFF80  }
0x68: {  	v3 =	vld [tilespmem:$0x100]  }
0x69: {  	v4 =	vld [tilespmem:$0x110]  }
0x6a: {  	v5 =	vld [tilespmem:$0x120]  }
0x6b: {  	v6 =	vld [tilespmem:$0x130]  }
0x6c: {  	v7 =	vld [tilespmem:$0x140]  }
0x6d: {  	v8 =	vld [tilespmem:$0x150];
	v3 =	vshll.u32 v3, $0x1  }
0x6e: {  	v9 =	vld [tilespmem:$0x160];
	v4 =	vshll.u32 v4, $0x1;
	v3 =	vadd.s32 v1, v3  }
0x6f: {  	[tilespmem:$0x180] =	vst v3;
	v3 =	vadd.s32 v1, v4;
	v4 =	vshll.u32 v5, $0x1;
	v5 =	vld [tilespmem:$0x170]  }
0x70: {  	[tilespmem:$0x190] =	vst v3;
	v3 =	vadd.s32 v1, v4;
	v4 =	vshll.u32 v6, $0x1  }
0x71: {  	[tilespmem:$0x1A0] =	vst v3;
	v3 =	vadd.s32 v1, v4;
	v4 =	vshll.u32 v7, $0x1  }
0x72: {  	[tilespmem:$0x1B0] =	vst v3;
	v3 =	vadd.s32 v1, v4;
	v4 =	vshll.u32 v8, $0x1  }
0x73: {  	[tilespmem:$0x1C0] =	vst v3;
	v3 =	vadd.s32 v1, v4;
	v4 =	vshll.u32 v9, $0x1  }
0x74: {  	[tilespmem:$0x1D0] =	vst v3;
	v3 =	vadd.s32 v1, v4;
	v4 =	vshll.u32 v5, $0x1  }
0x75: {  	[tilespmem:$0x1E0] =	vst v3;
	v3 =	vadd.s32 v1, v4  }
0x76: {  	[tilespmem:$0x1F0] =	vst v3  }
0x77: {  	[tilespmem:s0], [sflag:$0x1] =	stream.indirect.gather [hbm4b:s5+s30], $0x80, s16, s30, $0xb8;
	[tilespmem:$0x1FE00] =	vst v63  }
0x78: {  	_ = 	snop  }
0x79: {  	[tilespmem:s11], [sflag:$0x2] =	stream.indirect.gather [hbm4b:s1+s30], $0x80, s10, s30, $0xb8;
	[tilespmem:$0x1FE00] =	vst v63  }
0x7a: {  	_ =	swait.ge [sflag:s6], $0x4000  }
0x7b: {  	[sflag:s6] =	ssyncset.done $0x0  }
0x7c: {  	[sflag:s6] =	ssyncadd.s32 $0xFFFFC000  }
0x7d: {  	_ =	swait.ge [sflag:s15], $0x4000  }
0x7e: {  	[sflag:s15] =	ssyncset.done $0x0  }
0x7f: {  	s17 =	simm.s32 $0x0;
	[sflag:s15] =	ssyncadd.s32 $0xFFFFC000  }
0x80: {  	v10 =	vld [tilespmem:s17+$0x4200]  }
0x81: {  	v14 =	vld [tilespmem:s17+$0x4210]  }
0x82: {  	v8 =	vld [tilespmem:s17+$0x4220]  }
0x83: {  	v7 =	vld [tilespmem:s17+$0x4230]  }
0x84: {  	v6 =	vld [tilespmem:s17+$0x4240]  }
0x85: {  	v5 =	vld [tilespmem:s17+$0x4250]  }
0x86: {  	v4 =	vld [tilespmem:s17+$0x4260]  }
0x87: {  	v3 =	vld [tilespmem:s17+$0x4270]  }
0x88: {  	v15 =	vld [tilespmem:s17+$0x200]  }
0x89: {  	v16 =	vld [tilespmem:s17+$0x210]  }
0x8a: {  	v13 =	vld [tilespmem:s17+$0x220]  }
0x8b: {  	v12 =	vld [tilespmem:s17+$0x230]  }
0x8c: {  	v11 =	vld [tilespmem:s17+$0x240]  }
0x8d: {  	v9 =	vld [tilespmem:s17+$0x250];
	v15 =	vmul.f32 v10, v15  }
0x8e: {  	s19 =	simm.s32 $0x200;
	v14 =	vmul.f32 v14, v16;
	v10 =	vld [tilespmem:s17+$0x260]  }
.LBB2_9:
0x8f: {  	s20 =	sshra.s32 s19, $0x2;
	p1 =	sne.s32 s19, $0xFE00;
	[tilespmem:s17+$0x200] =	vst v15;
	v8 =	vmul.f32 v8, v13;
	v13 =	vld [tilespmem:s17+$0x270]  }
0x90: {  	v15 =	vld [tilespmem:s20+$0x4200];
	[tilespmem:s17+$0x210] =	vst v14;
	v7 =	vmul.f32 v7, v12  }
0x91: {  	v14 =	vld [tilespmem:s20+$0x4210];
	[tilespmem:s17+$0x220] =	vst v8;
	v6 =	vmul.f32 v6, v11  }
0x92: {  	v8 =	vld [tilespmem:s20+$0x4220];
	[tilespmem:s17+$0x230] =	vst v7;
	v5 =	vmul.f32 v5, v9  }
0x93: {  	v7 =	vld [tilespmem:s20+$0x4230];
	[tilespmem:s17+$0x240] =	vst v6;
	v4 =	vmul.f32 v4, v10  }
0x94: {  	v6 =	vld [tilespmem:s20+$0x4240];
	[tilespmem:s17+$0x250] =	vst v5;
	v3 =	vmul.f32 v3, v13  }
0x95: {  	v5 =	vld [tilespmem:s20+$0x4250];
	[tilespmem:s17+$0x260] =	vst v4  }
0x96: {  	v4 =	vld [tilespmem:s20+$0x4260];
	[tilespmem:s17+$0x270] =	vst v3;
	s17 =	smov.u32 s20  }
0x97: {  	v3 =	vld [tilespmem:s17+$0x4270]  }
0x98: {  	v9 =	vld [tilespmem:s17+$0x200]  }
0x99: {  	v10 =	vld [tilespmem:s17+$0x210]  }
.Ltmp4:
0x9a: {  	v13 =	vld [tilespmem:s17+$0x220];
	(pc) =	sbr.rel @p1 .LBB2_9-.Ltmp4, $4  }
0x9b: {  	v12 =	vld [tilespmem:s17+$0x230]  }
0x9c: {  	v11 =	vld [tilespmem:s17+$0x240]  }
0x9d: {  	v15 =	vmul.f32 v15, v9;
	v9 =	vld [tilespmem:s17+$0x250]  }
0x9e: {  	s19 =	sadd.s32 $0x200, s19;
	v14 =	vmul.f32 v14, v10;
	v10 =	vld [tilespmem:s17+$0x260]  }
0x9f: {  	[tilespmem:s17+$0x200] =	vst v15;
	v8 =	vmul.f32 v8, v13;
	v63 =	vld [tilespmem:s17+$0x270]  }
0xa0: {  	[tilespmem:s17+$0x210] =	vst v14;
	v7 =	vmul.f32 v7, v12  }
0xa1: {  	[tilespmem:s17+$0x220] =	vst v8;
	v6 =	vmul.f32 v6, v11  }
0xa2: {  	[tilespmem:s17+$0x230] =	vst v7;
	v5 =	vmul.f32 v5, v9  }
0xa3: {  	[tilespmem:s17+$0x240] =	vst v6;
	v4 =	vmul.f32 v4, v10  }
0xa4: {  	s18 =	sadd.s32 $0x1, s18;
	[tilespmem:s17+$0x250] =	vst v5;
	v3 =	vmul.f32 v3, v63  }
0xa5: {  	p1 =	sne.s32 s18, $0x9D;
	[tilespmem:s17+$0x260] =	vst v4  }
.Ltmp5:
0xa6: {  	[tilespmem:s17+$0x270] =	vst v3;
	(pc) =	sbr.rel @p1 .LBB2_8-.Ltmp5, $4  }
0xa7: {  	[spmem:s2] =	stream.indirect.scatter.add.f32 [tilespmem:s0], [sflag:$0x3], $0x80, s30, s30, $0xb8;
	[tilespmem:$0x1FE00] =	vst v63  }
0xa8: {  	_ =	swait.ge [sflag:s29], $0x4000  }
0xa9: {  	[sflag:s29] =	ssyncset.done $0x0  }
0xaa: {  	[sflag:s29] =	ssyncadd.s32 $0xFFFFC000  }
.Ltmp6:
0xab: {  	(pc) =	sbr.rel .LBB2_12-.Ltmp6, $2  }
0xac: {  	_ =	sdelay $0x2  }
0xad: {  	s16 =	rddreg [dreg:$0x5]  }
.LBB2_4:
0xae: {  	s18 =	sadd.s32 s14, s17  }
0xaf: {  	s18 =	sshll.u32 s18, $0x4  }
0xb0: {  	s19 =	sadd.s32 s7, s18  }
0xb1: {  	[tilespmem:s16], [sflag:$0x3] =	stream.linear.gather [hbm4b:s19+s16], $0x80, $0x38;
	[tilespmem:$0x1FE00] =	vst v63  }
0xb2: {  	_ =	swait.ge [sflag:s29], $0x80  }
0xb3: {  	[sflag:s29] =	ssyncset.done $0x0  }
0xb4: {  	s20 =	sadd.s32 s8, s18;
	[sflag:s29] =	ssyncadd.s32 $0xFFFFFF80  }
0xb5: {  	[tilespmem:s30], [sflag:$0x3] =	stream.linear.gather [hbm4b:s20+s16], $0x80, $0x38;
	[tilespmem:$0x1FE00] =	vst v63  }
0xb6: {  	_ =	swait.ge [sflag:s29], $0x80  }
0xb7: {  	[sflag:s29] =	ssyncset.done $0x0  }
0xb8: {  	s18 =	sadd.s32 s9, s18;
	[sflag:s29] =	ssyncadd.s32 $0xFFFFFF80  }
0xb9: {  	[tilespmem:s31], [sflag:$0x3] =	stream.linear.gather [hbm4b:s18+s16], $0x80, $0x38;
	[tilespmem:$0x1FE00] =	vst v63  }
0xba: {  	_ =	swait.ge [sflag:s29], $0x80  }
0xbb: {  	[sflag:s29] =	ssyncset.done $0x0  }
0xbc: {  	[sflag:s29] =	ssyncadd.s32 $0xFFFFFF80  }
0xbd: {  	v3 =	vld [tilespmem:$0x100]  }
0xbe: {  	v4 =	vld [tilespmem:$0x110]  }
0xbf: {  	v5 =	vld [tilespmem:$0x120]  }
0xc0: {  	v6 =	vld [tilespmem:$0x130]  }
0xc1: {  	v7 =	vld [tilespmem:$0x140]  }
0xc2: {  	v8 =	vld [tilespmem:$0x150];
	v3 =	vshll.u32 v3, $0x1  }
0xc3: {  	v9 =	vld [tilespmem:$0x160];
	v4 =	vshll.u32 v4, $0x1;
	v3 =	vadd.s32 v0, v3  }
0xc4: {  	[tilespmem:$0x180] =	vst v3;
	v3 =	vadd.s32 v0, v4;
	v4 =	vshll.u32 v5, $0x1;
	v5 =	vld [tilespmem:$0x170]  }
0xc5: {  	[tilespmem:$0x190] =	vst v3;
	v3 =	vadd.s32 v0, v4;
	v4 =	vshll.u32 v6, $0x1  }
0xc6: {  	[tilespmem:$0x1A0] =	vst v3;
	v3 =	vadd.s32 v0, v4;
	v4 =	vshll.u32 v7, $0x1  }
0xc7: {  	[tilespmem:$0x1B0] =	vst v3;
	v3 =	vadd.s32 v0, v4;
	v4 =	vshll.u32 v8, $0x1  }
0xc8: {  	[tilespmem:$0x1C0] =	vst v3;
	v3 =	vadd.s32 v0, v4;
	v4 =	vshll.u32 v9, $0x1  }
0xc9: {  	[tilespmem:$0x1D0] =	vst v3;
	v3 =	vadd.s32 v0, v4;
	v4 =	vshll.u32 v5, $0x1  }
0xca: {  	[tilespmem:$0x1E0] =	vst v3;
	v3 =	vadd.s32 v0, v4  }
0xcb: {  	[tilespmem:$0x1F0] =	vst v3  }
0xcc: {  	[tilespmem:s0], [sflag:$0x1] =	stream.indirect.gather [hbm4b:s4+s30], $0x80, s16, s30, $0xb8;
	[tilespmem:$0x1FE00] =	vst v63  }
0xcd: {  	_ = 	snop  }
0xce: {  	[tilespmem:s11], [sflag:$0x2] =	stream.indirect.gather [hbm4b:s1+s30], $0x80, s10, s30, $0xb8;
	[tilespmem:$0x1FE00] =	vst v63  }
0xcf: {  	_ =	swait.ge [sflag:s6], $0x4000  }
0xd0: {  	[sflag:s6] =	ssyncset.done $0x0  }
0xd1: {  	[sflag:s6] =	ssyncadd.s32 $0xFFFFC000  }
0xd2: {  	_ =	swait.ge [sflag:s15], $0x4000  }
0xd3: {  	[sflag:s15] =	ssyncset.done $0x0  }
0xd4: {  	s18 =	simm.s32 $0x0;
	[sflag:s15] =	ssyncadd.s32 $0xFFFFC000  }
0xd5: {  	v10 =	vld [tilespmem:s18+$0x4200]  }
0xd6: {  	v14 =	vld [tilespmem:s18+$0x4210]  }
0xd7: {  	v8 =	vld [tilespmem:s18+$0x4220]  }
0xd8: {  	v7 =	vld [tilespmem:s18+$0x4230]  }
0xd9: {  	v6 =	vld [tilespmem:s18+$0x4240]  }
0xda: {  	v5 =	vld [tilespmem:s18+$0x4250]  }
0xdb: {  	v4 =	vld [tilespmem:s18+$0x4260]  }
0xdc: {  	v3 =	vld [tilespmem:s18+$0x4270]  }
0xdd: {  	v15 =	vld [tilespmem:s18+$0x200]  }
0xde: {  	v16 =	vld [tilespmem:s18+$0x210]  }
0xdf: {  	v13 =	vld [tilespmem:s18+$0x220]  }
0xe0: {  	v12 =	vld [tilespmem:s18+$0x230]  }
0xe1: {  	v11 =	vld [tilespmem:s18+$0x240]  }
0xe2: {  	v9 =	vld [tilespmem:s18+$0x250];
	v15 =	vmul.f32 v10, v15  }
0xe3: {  	s19 =	simm.s32 $0x200;
	v14 =	vmul.f32 v14, v16;
	v10 =	vld [tilespmem:s18+$0x260]  }
.LBB2_5:
0xe4: {  	s20 =	sshra.s32 s19, $0x2;
	p1 =	sne.s32 s19, $0xFE00;
	[tilespmem:s18+$0x200] =	vst v15;
	v8 =	vmul.f32 v8, v13;
	v13 =	vld [tilespmem:s18+$0x270]  }
0xe5: {  	v15 =	vld [tilespmem:s20+$0x4200];
	[tilespmem:s18+$0x210] =	vst v14;
	v7 =	vmul.f32 v7, v12  }
0xe6: {  	v14 =	vld [tilespmem:s20+$0x4210];
	[tilespmem:s18+$0x220] =	vst v8;
	v6 =	vmul.f32 v6, v11  }
0xe7: {  	v8 =	vld [tilespmem:s20+$0x4220];
	[tilespmem:s18+$0x230] =	vst v7;
	v5 =	vmul.f32 v5, v9  }
0xe8: {  	v7 =	vld [tilespmem:s20+$0x4230];
	[tilespmem:s18+$0x240] =	vst v6;
	v4 =	vmul.f32 v4, v10  }
0xe9: {  	v6 =	vld [tilespmem:s20+$0x4240];
	[tilespmem:s18+$0x250] =	vst v5;
	v3 =	vmul.f32 v3, v13  }
0xea: {  	v5 =	vld [tilespmem:s20+$0x4250];
	[tilespmem:s18+$0x260] =	vst v4  }
0xeb: {  	v4 =	vld [tilespmem:s20+$0x4260];
	[tilespmem:s18+$0x270] =	vst v3;
	s18 =	smov.u32 s20  }
0xec: {  	v3 =	vld [tilespmem:s18+$0x4270]  }
0xed: {  	v9 =	vld [tilespmem:s18+$0x200]  }
0xee: {  	v10 =	vld [tilespmem:s18+$0x210]  }
.Ltmp7:
0xef: {  	v13 =	vld [tilespmem:s18+$0x220];
	(pc) =	sbr.rel @p1 .LBB2_5-.Ltmp7, $4  }
0xf0: {  	v12 =	vld [tilespmem:s18+$0x230]  }
0xf1: {  	v11 =	vld [tilespmem:s18+$0x240]  }
0xf2: {  	v15 =	vmul.f32 v15, v9;
	v9 =	vld [tilespmem:s18+$0x250]  }
0xf3: {  	s19 =	sadd.s32 $0x200, s19;
	v14 =	vmul.f32 v14, v10;
	v10 =	vld [tilespmem:s18+$0x260]  }
0xf4: {  	[tilespmem:s18+$0x200] =	vst v15;
	v8 =	vmul.f32 v8, v13;
	v63 =	vld [tilespmem:s18+$0x270]  }
0xf5: {  	[tilespmem:s18+$0x210] =	vst v14;
	v7 =	vmul.f32 v7, v12  }
0xf6: {  	[tilespmem:s18+$0x220] =	vst v8;
	v6 =	vmul.f32 v6, v11  }
0xf7: {  	[tilespmem:s18+$0x230] =	vst v7;
	v5 =	vmul.f32 v5, v9  }
0xf8: {  	[tilespmem:s18+$0x240] =	vst v6;
	v4 =	vmul.f32 v4, v10  }
0xf9: {  	s17 =	sadd.s32 $0x1, s17;
	[tilespmem:s18+$0x250] =	vst v5;
	v3 =	vmul.f32 v3, v63  }
0xfa: {  	p1 =	seq.s32 s17, $0x9D;
	[tilespmem:s18+$0x260] =	vst v4  }
.Ltmp8:
0xfb: {  	[tilespmem:s18+$0x270] =	vst v3;
	(pc) =	sbr.rel @!p1 .LBB2_4-.Ltmp8, $4  }
0xfc: {  	[spmem:s2] =	stream.indirect.scatter.add.f32 [tilespmem:s0], [sflag:$0x3], $0x80, s30, s30, $0xb8;
	[tilespmem:$0x1FE00] =	vst v63  }
0xfd: {  	_ =	swait.ge [sflag:s29], $0x4000  }
0xfe: {  	[sflag:s29] =	ssyncset.done $0x0  }
0xff: {  	[sflag:s29] =	ssyncadd.s32 $0xFFFFC000  }
.Ltmp9:
0x100: {  	(pc) =	sbr.rel .LBB2_12-.Ltmp9, $2  }
0x101: {  	_ =	sdelay $0x2  }
0x102: {  	s16 =	rddreg [dreg:$0x4]  }
.LBB2_13:
0x103: {  	_ =	sfence.sel $0x180000  }
0x104: {  	[bflag:$0x0] =	sbarrier.arrive $0xFFFF  }
0x105: {  	_ =	strace $0x9000004A  }
0x106: {  	s0 =	stileid.u32;
	[bflag:$0x2] =	sbarrier.arrive $0xFFFF  }
0x107: {  	p0 =	sne.s32 s0, $0x0;
	s0 =	rddreg [dreg:$0x3]  }
0x108: {  	s0 =	sadd.s32 @!p0 $0x100000, s0  }
0x109: {  	[sflag:s0] =	ssyncadd.tile.s32 @!p0 $0x1;
	_ =	shalt  }
.Lfunc_end2:
_tile_overlayer_lowered:
.L_overlay_start_2:
0x10a: {  	(tag) =	ssettag $0x2  }
0x10b: {  	s0 =	rddreg [dreg:$0x0];
	s2 =	stileid.u32  }
0x10c: {  	s1 =	rddreg [dreg:$0x1];
	p0 =	sne.s32 s2, $0x0  }
0x10d: {  	s3 =	rddreg [dreg:$0x2];
	[bflag:$0x3] =	sbarrier.arrive $0xFFFF;
	s2 =	simm.s32 @!p0 $0x1C03  }
0x10e: {  	[timem:s3], [sflag:s2] =	dma.local @!p0 [hbm:s0], s1  }
0x10f: {  	s0 =	simm.s32 @!p0 $0x3  }
0x110: {  	_ =	swait.ge @!p0 [sflag:s0], s1  }
0x111: {  	s1 =	ssub.s32 @!p0 $0x0, s1;
	[sflag:s0] =	ssyncset.done @!p0 $0x0  }
0x112: {  	[sflag:s0] =	ssyncadd.s32 @!p0 s1  }
0x113: {  	[bflag:$0x3] =	sbarrier.arrive $0xFFFF  }
0x114: {  	_ =	shalt  }

// kernel: kernel.7.cloned.1.call-start
scs
__scs_entry_jumppad:
0x0: {  	(pc) =	sbr.rel $0x88, $3  }
0x1: {  	(tag) =	ssettag $0x0;
	lr =	simm.s32 $0x1  }
0x2: {  	[smem:$0x3F95] =	sst lr;
	_ =	strace $0xD0000000  }
0x3: {  	_ = 	snop  }
0x4: {  	_ = 	snop  }
0x5: {  	_ = 	snop  }
0x6: {  	_ = 	snop  }
0x7: {  	_ = 	snop  }
__scs_overlays_trampoline_lowered:
0x8: {  	[smem:$0x3FA4] =	sst s0  }
0x9: {  	[smem:$0x3FA5] =	sst s1  }
0xa: {  	[smem:$0x3FA6] =	sst s2  }
0xb: {  	[smem:$0x3FA7] =	sst s3  }
0xc: {  	[smem:$0x3FA8] =	sst s4  }
0xd: {  	[smem:$0x3FA9] =	sst s5  }
0xe: {  	[smem:$0x3FAA] =	sst s6  }
0xf: {  	[smem:$0x3FAB] =	sst s7  }
0x10: {  	[smem:$0x3FAC] =	sst s8  }
0x11: {  	[smem:$0x3FAD] =	sst s9;
	s0 =	simm.s32 @!p0 $0x0  }
0x12: {  	s1 =	sld [smem:$0x3F93];
	s0 =	simm.s32 @p0 $0x1  }
0x13: {  	[smem:$0x3FAE] =	sst s0;
	s0 =	simm.s32 @!p1 $0x0  }
0x14: {  	s2 =	sld [smem:$0x3F92];
	s0 =	simm.s32 @p1 $0x1  }
0x15: {  	[smem:$0x3FAF] =	sst s0;
	s0 =	simm.s32 @!p2 $0x0  }
0x16: {  	s3 =	sld [smem:$0x3FDB];
	s0 =	simm.s32 @p2 $0x1  }
0x17: {  	s4 =	simm.s32 $0x1BF5;
	[smem:$0x3FB1] =	sst s0  }
0x18: {  	s0 =	sld [smem:$0x3F94];
	_ =	swait.ge [sflag:s4], $0x0  }
0x19: {  	s7 =	sld [smem:$0x3F95]  }
0x1a: {  	s8 =	sadd.s32 $0xFFFFE003, lr  }
0x1b: {  	s9 =	sadd.s32 $0xFFFFFEF7, lr;
	s5 =	simm.s32 $0xFFFFFFFF;
	p2 =	slt.u32 s8, $0xFFFFF086  }
0x1c: {  	p1 =	slt.u32 s9, $0xF7A;
	s5 =	simm.s32 @!p2 $0x0  }
0x1d: {  	s5 =	simm.s32 @p1 $0x1;
	p0 =	seq.s32 s7, s2  }
0x1e: {  	s7 =	smul.u32 @!p0 $0xF7A, s2;
	p2 =	seq.s32 @!p0 s5, $0x0  }
0x1f: {  	s9 =	smul.u32 $0xF7A, s1;
	s8 =	simm.s32 @!p0 $0x1BF5;
	p2 =	por !p2, p0  }
0x20: {  	[sflag:s8] =	ssyncset.s32 @!p0 $0xFFFFF086;
	s6 =	sadd.s32 @!p0 s3, s7;
	s7 =	simm.s32 @!p0 $0x108  }
0x21: {  	s3 =	sadd.s32 s3, s9;
	s6 =	sadd.s32 @!p0 $0x88, s6;
	s7 =	simm.s32 @p2 $0x1082  }
0x22: {  	[simem:s7], [sflag:s8] =	dma.local @!p0 [hbm:s6], $0xF7A  }
0x23: {  	s9 =	sor.u32 $0xD0000000, s2;
	s6 =	simm.s32 $0x108;
	_ =	swait.ge @!p0 [sflag:s8], $0x0  }
0x24: {  	s3 =	sadd.s32 $0x88, s3;
	s6 =	simm.s32 @!p1 $0x1082;
	[sflag:s4] =	ssyncset.s32 $0xFFFFF086  }
0x25: {  	[simem:s6], [sflag:s4] =	dma.local [hbm:s3], $0xF7A  }
0x26: {  	[smem:$0x3F95] =	sst s1;
	(tag) =	ssettag s2;
	_ =	strace s9  }
0x27: {  	s1 =	sld [smem:$0x3FA5]  }
0x28: {  	s2 =	sld [smem:$0x3FA6]  }
0x29: {  	s4 =	sld [smem:$0x3FA8]  }
0x2a: {  	p0 =	seq.s32 s5, $0x0;
	s5 =	sld [smem:$0x3FA9]  }
0x2b: {  	s6 =	sld [smem:$0x3FAA]  }
0x2c: {  	s7 =	sld [smem:$0x3FAB]  }
0x2d: {  	s3 =	simm.s32 $0x108;
	s8 =	sld [smem:$0x3FAC]  }
0x2e: {  	s3 =	simm.s32 @!p0 $0x1082;
	s9 =	sld [smem:$0x3FAD]  }
0x2f: {  	lr =	sadd.s32 s0, s3;
	s0 =	sld [smem:$0x3FA4]  }
0x30: {  	s3 =	sld [smem:$0x3FA7]  }
0x31: {  	[smem:$0x3FB0] =	sst s10  }
0x32: {  	s10 =	sld [smem:$0x3FAE];
	_ =	sdelay $0x3  }
0x33: {  	p0 =	seq.s32 s10, $0x1;
	s10 =	sld [smem:$0x3FB0];
	_ =	sdelay $0x3  }
0x34: {  	[smem:$0x3FB0] =	sst s10  }
0x35: {  	s10 =	sld [smem:$0x3FAF];
	_ =	sdelay $0x3  }
0x36: {  	p1 =	seq.s32 s10, $0x1;
	s10 =	sld [smem:$0x3FB0];
	_ =	sdelay $0x3  }
0x37: {  	[smem:$0x3FB0] =	sst s10  }
0x38: {  	s10 =	sld [smem:$0x3FB1]  }
0x39: {  	_ = 	snop;
	(pc) =	sbr.ind lr, $3  }
0x3a: {  	_ = 	snop  }
0x3b: {  	_ = 	snop  }
0x3c: {  	p2 =	seq.s32 s10, $0x1;
	s10 =	sld [smem:$0x3FB0]  }
0x3d: {  	_ =	shalt  }
0x3e: {  	_ =	shalt  }
0x3f: {  	_ =	shalt  }
0x40: {  	_ =	shalt  }
0x41: {  	_ =	shalt  }
0x42: {  	_ =	shalt  }
0x43: {  	_ =	shalt  }
0x44: {  	_ =	shalt  }
0x45: {  	_ =	shalt  }
0x46: {  	_ =	shalt  }
0x47: {  	_ =	shalt  }
0x48: {  	_ =	shalt  }
0x49: {  	_ =	shalt  }
0x4a: {  	_ =	shalt  }
0x4b: {  	_ =	shalt  }
0x4c: {  	_ =	shalt  }
0x4d: {  	_ =	shalt  }
0x4e: {  	_ =	shalt  }
0x4f: {  	_ =	shalt  }
0x50: {  	_ =	shalt  }
0x51: {  	_ =	shalt  }
0x52: {  	_ =	shalt  }
0x53: {  	_ =	shalt  }
0x54: {  	_ =	shalt  }
0x55: {  	_ =	shalt  }
0x56: {  	_ =	shalt  }
0x57: {  	_ =	shalt  }
0x58: {  	_ =	shalt  }
0x59: {  	_ =	shalt  }
0x5a: {  	_ =	shalt  }
0x5b: {  	_ =	shalt  }
0x5c: {  	_ =	shalt  }
0x5d: {  	_ =	shalt  }
0x5e: {  	_ =	shalt  }
0x5f: {  	_ =	shalt  }
0x60: {  	_ =	shalt  }
0x61: {  	_ =	shalt  }
0x62: {  	_ =	shalt  }
0x63: {  	_ =	shalt  }
0x64: {  	_ =	shalt  }
0x65: {  	_ =	shalt  }
0x66: {  	_ =	shalt  }
0x67: {  	_ =	shalt  }
0x68: {  	_ =	shalt  }
0x69: {  	_ =	shalt  }
0x6a: {  	_ =	shalt  }
0x6b: {  	_ =	shalt  }
0x6c: {  	_ =	shalt  }
0x6d: {  	_ =	shalt  }
0x6e: {  	_ =	shalt  }
0x6f: {  	_ =	shalt  }
0x70: {  	_ =	shalt  }
0x71: {  	_ =	shalt  }
0x72: {  	_ =	shalt  }
0x73: {  	_ =	shalt  }
0x74: {  	_ =	shalt  }
0x75: {  	_ =	shalt  }
0x76: {  	_ =	shalt  }
0x77: {  	_ =	shalt  }
0x78: {  	_ =	shalt  }
0x79: {  	_ =	shalt  }
0x7a: {  	_ =	shalt  }
0x7b: {  	_ =	shalt  }
0x7c: {  	_ =	shalt  }
0x7d: {  	_ =	shalt  }
0x7e: {  	_ =	shalt  }
0x7f: {  	_ =	shalt  }
0x80: {  	_ =	shalt  }
0x81: {  	_ =	shalt  }
0x82: {  	_ =	shalt  }
0x83: {  	_ =	shalt  }
0x84: {  	_ =	shalt  }
0x85: {  	_ =	shalt  }
0x86: {  	_ =	shalt  }
0x87: {  	_ =	shalt  }
.Lfunc_end0:
.L_simem_size_0:
called_computation_lowered:
.L_overlay_start_0:
0x88: {  	s2 =	sld [smem:$0x3FD9]  }
0x89: {  	s3 =	sld [smem:$0x3FFE];
	_ =	sdelay $0x1  }
0x8a: {  	s1 =	srdreg.scid  }
0x8b: {  	s0 =	sand.u32 $0x1, s1  }
0x8c: {  	s14 =	sshll.u32 s0, $0xA;
	s2 =	sadd.s32 s3, s2  }
0x8d: {  	s2 =	sadd.s32 s2, s14  }
0x8e: {  	[smem:$0x3FBC] =	sst s2  }
0x8f: {  	_ = 	snop  }
0x90: {  	s2 =	sld [smem:$0x3FD0];
	_ =	sdelay $0x2  }
0x91: {  	s15 =	simm.s32 $0xA;
	s4 =	simm.s32 $0x10  }
0x92: {  	[smem:s4], [sflag:s15] =	dma.local [hbm:s2], $0x1  }
0x93: {  	_ =	swait.eq [sflag:s15], $0x1  }
0x94: {  	[sflag:s15] =	ssyncset.done $0x0  }
0x95: {  	[sflag:s15] =	ssyncadd.s32 $0xFFFFFFFF  }
0x96: {  	s16 =	sld [smem:$0x10];
	(tm) =	ssettm $0x1  }
0x97: {  	s17 =	sld [smem:$0x3FFB];
	_ =	sdelay $0x3  }
0x98: {  	_ =	strace s17  }
0x99: {  	s3 =	sld [smem:$0x3FFC];
	_ =	sdelay $0x3  }
0x9a: {  	_ =	strace s3  }
0x9b: {  	s3 =	sld [smem:$0x3FFD];
	_ =	sdelay $0x3  }
0x9c: {  	_ =	strace s3  }
0x9d: {  	_ =	strace $0x8FFFFFFF  }
0x9e: {  	s18 =	sld [smem:$0x3FDB];
	_ =	sdelay $0x1  }
0x9f: {  	s19 =	simm.s32 $_scs_section_size  }
0xa0: {  	s5 =	simm.s32 $_size__tile_overlayer_lowered;
	s6 =	simm.s32 $_tile_overlayer_lowered  }
0xa1: {  	s22 =	simm.s32 $0x1BFF;
	s21 =	sshll.u32 s6, $0x1;
	s3 =	sadd.s32 s19, s18  }
0xa2: {  	s7 =	simm.s32 $0x0;
	s20 =	sshll.u32 s5, $0x1;
	s5 =	sadd.s32 s21, s3  }
0xa3: {  	[timem:s7], [sflag:s22] =	dma.local [hbm:s5], s20  }
0xa4: {  	_ =	swait.ge [sflag:s22], s20  }
0xa5: {  	s4 =	ssub.s32 $0x0, s20;
	[sflag:s22] =	ssyncset.done $0x0  }
0xa6: {  	[sflag:s22] =	ssyncadd.s32 s4;
	_ =	sdelay $0x1  }
0xa7: {  	s23 =	simm.s32 $0x1B8B  }
0xa8: {  	_ =	swait.ge [sflag:s23], $0x1  }
0xa9: {  	[sflag:s23] =	ssyncset.done $0x0  }
0xaa: {  	s25 =	simm.s32 $0x1B8E;
	s24 =	sld [smem:$0x3FFE];
	[sflag:s23] =	ssyncadd.s32 $0xFFFFFFFF  }
0xab: {  	s26 =	simm.s32 $execute0_lowered;
	[smem:$0x3FD2] =	sst s25  }
0xac: {  	s5 =	sshll.u32 s26, $0x1;
	_ =	strace $0x80000046;
	[dreg:$0x1] =	wrdreg $0xFFFFFFFF  }
0xad: {  	s28 =	simm.s32 $_size_execute0_lowered;
	s3 =	sadd.s32 s3, s5;
	[dreg:$0x0] =	wrdreg $0x0  }
0xae: {  	s5 =	sshll.u32 s28, $0x1;
	[dreg:$0x2] =	wrdreg s3  }
0xaf: {  	[dreg:$0x3] =	wrdreg s5  }
0xb0: {  	[dreg:$0x4] =	wrdreg $0xC0  }
0xb1: {  	_ =	task [dreg:s7], $0x5FFFF  }
0xb2: {  	[dreg:$0x1] =	wrdreg $0xFFFFFFFF  }
0xb3: {  	[dreg:$0x0] =	wrdreg $0x60  }
0xb4: {  	[dreg:$0x2] =	wrdreg s24  }
0xb5: {  	[dreg:$0x3] =	wrdreg s16  }
0xb6: {  	[dreg:$0x4] =	wrdreg $0x9  }
0xb7: {  	_ =	task.clear_ibuf [dreg:s7], $0x5FFFF;
	_ =	strace $0x90000046  }
0xb8: {  	s29 =	simm.s32 $0x9;
	_ =	strace $0x80000048  }
0xb9: {  	_ =	swait.ge [sflag:s29], $0x1  }
0xba: {  	[sflag:s29] =	ssyncadd.s32 $0xFFFFFFFF  }
0xbb: {  	_ =	strace $0x90000048  }
0xbc: {  	_ =	sfence  }
0xbd: {  	s30 =	sld [smem:$0x0];
	_ =	sdelay $0x2  }
0xbe: {  	s31 =	sshll.u32 s1, $0xD;
	s1 =	sshrl.u32 s1, $0x2  }
0xbf: {  	s3 =	sand.u32 $0x4000, s31;
	s1 =	sadd.s32 s1, s30  }
0xc0: {  	s0 =	sor.u32 s3, s0;
	s1 =	sshll.u32 s1, $0x11  }
0xc1: {  	s0 =	sor.u32 s1, s0  }
0xc2: {  	s0 =	sadd.s32 $0x8F2B, s0  }
0xc3: {  	[sflag:s0] =	ssyncadd.remote.s32 $0x1  }
0xc4: {  	_ =	sfence.sel $0xFFFF  }
0xc5: {  	[dreg:$0x0] =	wrdreg $0xFFFFFFFF;
	(pc) =	sbr.abs _section_cstart, $3  }
0xc6: {  	[dreg:$0x1] =	wrdreg $0xFFFFFFFF  }
0xc7: {  	_ =	task.clear_ibuf [dreg:s7], $0x2FFFF;
	_ =	strace $0x9FFFFFFF  }
0xc8: {  	(tm) =	ssettm $0x7FFFFFFF  }
0xc9: {  	_ =	shalt  }
tec
execute0_lowered:
.L_overlay_start_1:
0x0: {  	(tag) =	ssettag $0x1  }
0x1: {  	s0 =	srdreg.scid;
	s3 =	rddreg [dreg:$0x0]  }
0x2: {  	s5 =	rddreg [dreg:$0x1];
	s1 =	stileid.u32;
	s9 =	simm.s32 $0x1  }
0x3: {  	s10 =	simm.s32 $0x7680;
	s11 =	simm.s32 $0x2780;
	s4 =	sand.u32 $0x1, s0  }
0x4: {  	s12 =	simm.s32 $0x80;
	s13 =	simm.s32 $0x100;
	s2 =	sshll.u32 s4, $0x4  }
0x5: {  	s14 =	simm.s32 $0x0;
	s0 =	rddreg [dreg:$0x2];
	s6 =	sor.u32 s1, s2  }
0x6: {  	s4 =	ssub.s32 $0x2, s4;
	s2 =	simm.s32 $0x0;
	s7 =	smul.u32 $0x4E8, s6  }
0x7: {  	s8 =	sshrl.u32 s4, $0x1;
	[smem:$0x7FF] =	sst s2;
	s6 =	smul.u32 $0x9E0, s6  }
0x8: {  	s8 =	ssub.s32 s4, s8;
	_ =	strace $0x80000047;
	s7 =	sadd.s32 s7, s3  }
0x9: {  	s5 =	sadd.s32 s5, s6;
	s3 =	sadd.s32 $0xD000, s7;
	s4 =	sadd.s32 $0x3200, s7  }
0xa: {  	v0 =	vimm.f32 $0.0e+00;
	v1 =	vimm.f32 $1.000000000e+00;
	s6 =	sadd.s32 $0x10, s5;
	s7 =	smax.u32 s8, $0x1;
	s8 =	simm.s32 $0x4F00  }
.LBB2_1:
0xb: {  	s15 =	simm.s32 $0x40;
	s16 =	simm.s32 $0x0  }
.LBB2_2:
0xc: {  	p0 =	sne.s32 s15, $0x9DC0;
	[tilespmem:s16+$0x0] =	vst v0;
	s17 =	smov.u32 s15;
	s15 =	sadd.s32 $0x40, s15  }
.Ltmp0:
0xd: {  	[tilespmem:s16+$0x2780] =	vst v0;
	(pc) =	sbr.rel @p0 .LBB2_2-.Ltmp0, $2  }
0xe: {  	_ =	sdelay $0x2  }
0xf: {  	s16 =	sshra.s32 s17, $0x2  }
0x10: {  	[tilespmem:s16+$0x0] =	vst v0  }
0x11: {  	[tilespmem:s16+$0x2780] =	vst v0;
	s15 =	simm.s32 $0x0  }
0x12: {  	[tilespmem:s8], [sflag:$0x1] =	stream.linear.gather [hbm4b:s3+s15], $0x2740, $0x38;
	[tilespmem:$0x9E00] =	vst v63  }
0x13: {  	_ =	swait.ge [sflag:s9], $0x2740  }
0x14: {  	[sflag:s9] =	ssyncset.done $0x0  }
0x15: {  	[sflag:s9] =	ssyncadd.s32 $0xFFFFD8C0  }
0x16: {  	[tilespmem:s10], [sflag:$0x1] =	stream.linear.gather [hbm4b:s4+s15], $0x2740, $0x38;
	[tilespmem:$0x9E00] =	vst v63  }
0x17: {  	_ =	swait.ge [sflag:s9], $0x2740  }
0x18: {  	[sflag:s9] =	ssyncset.done $0x0  }
0x19: {  	s16 =	simm.s32 $0x0;
	s15 =	simm.s32 $0x40;
	[sflag:s9] =	ssyncadd.s32 $0xFFFFD8C0  }
.LBB2_4:
0x1a: {  	p0 =	sne.s32 s15, $0x9CC0;
	v2 =	vld [tilespmem:s16+$0x4F00];
	_ =	sdelay $0x7  }
0x1b: {  	[tilespmem:v2+s2+$0x0] =	vst.idx.add.f32.msk $0xffff, v1  }
0x1c: {  	v2 =	vld [tilespmem:s16+$0x7680];
	_ =	sdelay $0x3  }
.Ltmp1:
0x1d: {  	(pc) =	sbr.rel @p0 .LBB2_4-.Ltmp1, $2  }
0x1e: {  	_ =	sdelay $0x2  }
0x1f: {  	s16 =	sshra.s32 s15, $0x2;
	s15 =	sadd.s32 $0x40, s15;
	[tilespmem:v2+s11+$0x0] =	vst.idx.add.f32.msk $0xffff, v1  }
0x20: {  	v2 =	vld [tilespmem:s16+$0x4F00];
	_ =	sdelay $0x7  }
0x21: {  	[tilespmem:v2+s2+$0x0] =	vst.idx.add.f32.msk $0xffff, v1  }
0x22: {  	v2 =	vld [tilespmem:s16+$0x7680];
	_ =	sdelay $0x7  }
0x23: {  	[tilespmem:v2+s11+$0x0] =	vst.idx.add.f32.msk $0xffff, v1  }
0x24: {  	[hbm4b:s5+s12] =	stream.strided.scatter [tilespmem:s2], [sflag:$0x1], $0x2780, s13, s12, $0x38;
	[tilespmem:$0x9E00] =	vst v63  }
0x25: {  	s14 =	sadd.s32 $0x1, s14;
	_ =	swait.ge [sflag:s9], $0x2780  }
0x26: {  	p0 =	sne.s32 s14, s7;
	[sflag:s9] =	ssyncset.done $0x0  }
.Ltmp2:
0x27: {  	[sflag:s9] =	ssyncadd.s32 $0xFFFFD880;
	(pc) =	sbr.rel @p0 .LBB2_1-.Ltmp2, $4  }
0x28: {  	[hbm4b:s6+s12] =	stream.strided.scatter [tilespmem:s11], [sflag:$0x1], $0x2780, s13, s12, $0x38;
	[tilespmem:$0x9E00] =	vst v63  }
0x29: {  	_ =	swait.ge [sflag:s9], $0x2780  }
0x2a: {  	[sflag:s9] =	ssyncset.done $0x0  }
0x2b: {  	[sflag:s9] =	ssyncadd.s32 $0xFFFFD880  }
0x2c: {  	_ =	sfence.sel $0x180000  }
0x2d: {  	[bflag:$0x0] =	sbarrier.arrive $0xFFFF  }
0x2e: {  	p0 =	sne.s32 s1, $0x0;
	_ =	strace $0x90000047  }
0x2f: {  	s0 =	sadd.s32 @!p0 $0x100000, s0;
	[bflag:$0x2] =	sbarrier.arrive $0xFFFF  }
0x30: {  	[sflag:s0] =	ssyncadd.tile.s32 @!p0 $0x1;
	_ =	shalt  }
.Lfunc_end2:
_tile_overlayer_lowered:
.L_overlay_start_2:
0x31: {  	(tag) =	ssettag $0x2  }
0x32: {  	s0 =	rddreg [dreg:$0x0];
	s2 =	stileid.u32  }
0x33: {  	s1 =	rddreg [dreg:$0x1];
	p0 =	sne.s32 s2, $0x0  }
0x34: {  	s3 =	rddreg [dreg:$0x2];
	[bflag:$0x3] =	sbarrier.arrive $0xFFFF;
	s2 =	simm.s32 @!p0 $0x1C01  }
0x35: {  	[timem:s3], [sflag:s2] =	dma.local @!p0 [hbm:s0], s1  }
0x36: {  	s0 =	simm.s32 @!p0 $0x1  }
0x37: {  	_ =	swait.ge @!p0 [sflag:s0], s1  }
0x38: {  	s1 =	ssub.s32 @!p0 $0x0, s1;
	[sflag:s0] =	ssyncset.done @!p0 $0x0  }
0x39: {  	[sflag:s0] =	ssyncadd.s32 @!p0 s1  }
0x3a: {  	[bflag:$0x3] =	sbarrier.arrive $0xFFFF  }
0x3b: {  	_ =	shalt  }

</sc_bundles>
